<compile_context>
chip_gen: v7x
topology: tpu7x:2x2x1
jax: 0.10.2.dev20260603
libtpu: 0.0.44.dev20260713+nightly
codegen_flags: <defaults>
</compile_context>

<pallas_src>
import functools

import jax
import jax.numpy as jnp
from jax import lax
from jax.experimental import pallas as pl
from jax.experimental.pallas import tpu as pltpu
from jax.experimental.pallas import tpu_sc as plsc

N_NODES = 10000
D = 128

NC = 2
NS = 16
NW = NC * NS

NP = 10240
ROWS_PER_TILE = NP // NS
CHUNK = 128
N_EDGES = 320000
EP = 327680
NCH = EP // (NW * CHUNK)

def _deg_body(dst_hbm, degp_hbm, deg_sh, idx_v, ones_v, zb, dsem0, dsem1):
    c = lax.axis_index("c")
    s = lax.axis_index("s")
    w = c * NS + s

    for k in range(ROWS_PER_TILE // 16):
        zb[pl.ds(k * 16, 16)] = jnp.zeros((16,), jnp.float32)
    for k in range(CHUNK // 16):
        ones_v[pl.ds(k * 16, 16)] = jnp.ones((16,), jnp.float32)
    pltpu.sync_copy(zb, deg_sh.at[pl.ds(s * ROWS_PER_TILE, ROWS_PER_TILE)])
    pltpu.sync_copy(dst_hbm.at[pl.ds(w * NCH, NCH)], idx_v)
    plsc.subcore_barrier()

    def body(jj, carry):
        j0 = jj * 8
        for q in range(8):
            sem = dsem0 if q % 2 == 0 else dsem1
            pltpu.async_copy(ones_v, deg_sh.at[idx_v.at[j0 + q]], sem, add=True)
        for q in range(8):
            sem = dsem0 if q % 2 == 0 else dsem1
            pltpu.make_async_copy(ones_v, deg_sh.at[idx_v.at[j0 + q]], sem).wait()
        return carry

    lax.fori_loop(0, NCH // 8, body, 0)
    plsc.subcore_barrier()
    pltpu.sync_copy(
        deg_sh.at[pl.ds(s * ROWS_PER_TILE, ROWS_PER_TILE)],
        degp_hbm.at[c, pl.ds(s * ROWS_PER_TILE, ROWS_PER_TILE)],
    )


ROUND = 40


def _agg_body(src_hbm, dst_hbm, y_hbm, aggp_hbm, agg_sh, sidx, didx, rows,
              sem0, sem1):
    c = lax.axis_index("c")
    s = lax.axis_index("s")

    def zrow(i, carry):
        for k in range(D // 16):
            rows[0, i, pl.ds(k * 16, 16)] = jnp.zeros((16,), jnp.float32)
        return carry

    with jax.named_scope("ph_zero"):
        lax.fori_loop(0, CHUNK, zrow, 0)
        for t in range(ROWS_PER_TILE // CHUNK):
            r = s * ROWS_PER_TILE + t * CHUNK
            pltpu.sync_copy(rows.at[0], agg_sh.at[pl.ds(r, CHUNK)])
        plsc.subcore_barrier()

    def step2(jj, carry):
        j0 = jj * 2
        pltpu.async_copy(
            y_hbm.at[sidx.at[pl.ds((j0 + 1) * CHUNK, CHUNK)]], rows.at[1], sem1)
        pltpu.make_async_copy(
            y_hbm.at[sidx.at[pl.ds(j0 * CHUNK, CHUNK)]], rows.at[0], sem0).wait()
        pltpu.sync_copy(rows.at[0], agg_sh.at[didx.at[j0]], add=True)
        @pl.when(j0 + 2 < ROUND)
        def _():
            pltpu.async_copy(
                y_hbm.at[sidx.at[pl.ds((j0 + 2) * CHUNK, CHUNK)]],
                rows.at[0], sem0)
        pltpu.make_async_copy(
            y_hbm.at[sidx.at[pl.ds((j0 + 1) * CHUNK, CHUNK)]],
            rows.at[1], sem1).wait()
        pltpu.sync_copy(rows.at[1], agg_sh.at[didx.at[j0 + 1]], add=True)
        return carry

    w = c * NS + s
    with jax.named_scope("ph_edges"):
        for r in range(NCH // ROUND):
            pltpu.sync_copy(
                src_hbm.at[pl.ds((w * NCH + r * ROUND) * CHUNK, ROUND * CHUNK)],
                sidx)
            pltpu.sync_copy(dst_hbm.at[pl.ds(w * NCH + r * ROUND, ROUND)], didx)
            pltpu.async_copy(y_hbm.at[sidx.at[pl.ds(0, CHUNK)]], rows.at[0], sem0)
            lax.fori_loop(0, ROUND // 2, step2, 0)
    with jax.named_scope("ph_barrier"):
        plsc.subcore_barrier()
    with jax.named_scope("ph_out"):
        for t in range(ROWS_PER_TILE // CHUNK):
            r = s * ROWS_PER_TILE + t * CHUNK
            pltpu.sync_copy(
                agg_sh.at[pl.ds(r, CHUNK)], aggp_hbm.at[c, pl.ds(r, CHUNK)]
            )


def _scale_body(x_ref, degp_ref, y_ref, dis_ref):
    i = pl.program_id(0)
    deg = (degp_ref[0, pl.ds(i * 2048, 2048)]
           + degp_ref[1, pl.ds(i * 2048, 2048)] + 1.0)
    dis = lax.rsqrt(deg)
    y_ref[...] = dis[:, None] * x_ref[...]
    dis_ref[...] = dis[:, None]


def _scale_call(x_p, degp):
    return pl.pallas_call(
        _scale_body,
        grid=(NP // 2048,),
        in_specs=[
            pl.BlockSpec((2048, D), lambda i: (i, 0)),
            pl.BlockSpec((NC, NP), lambda i: (0, 0)),
        ],
        out_specs=[
            pl.BlockSpec((2048, D), lambda i: (i, 0)),
            pl.BlockSpec((2048, 1), lambda i: (i, 0)),
        ],
        out_shape=(
            jax.ShapeDtypeStruct((NP, D), jnp.float32),
            jax.ShapeDtypeStruct((NP, 1), jnp.float32),
        ),
    )(x_p, degp)


def _head_body(aggp_ref, y_ref, dis_ref, w1_ref, b1_ref, w2_ref, b2_ref,
               x3_ref, x1_ref, x2_ref):
    agg = dis_ref[...] * (aggp_ref[0] + aggp_ref[1] + y_ref[...])
    x1 = jnp.dot(agg, w1_ref[...], preferred_element_type=jnp.float32) + b1_ref[...]
    x2 = jnp.dot(agg, w2_ref[...], preferred_element_type=jnp.float32) + b2_ref[...]
    s = x1 + x2
    m = jnp.max(s, axis=1, keepdims=True)
    z = s - m
    x3_ref[...] = z - jnp.log(jnp.sum(jnp.exp(z), axis=1, keepdims=True))
    x1_ref[...] = x1
    x2_ref[...] = x2


def _head_call(aggp, y, dis, W1, b1, W2, b2):
    blk = 2000
    out = jax.ShapeDtypeStruct((N_NODES, D), jnp.float32)
    return pl.pallas_call(
        _head_body,
        grid=(N_NODES // blk,),
        in_specs=[
            pl.BlockSpec((NC, blk, D), lambda i: (0, i, 0)),
            pl.BlockSpec((blk, D), lambda i: (i, 0)),
            pl.BlockSpec((blk, 1), lambda i: (i, 0)),
            pl.BlockSpec((D, D), lambda i: (0, 0)),
            pl.BlockSpec((1, D), lambda i: (0, 0)),
            pl.BlockSpec((D, D), lambda i: (0, 0)),
            pl.BlockSpec((1, D), lambda i: (0, 0)),
        ],
        out_specs=[
            pl.BlockSpec((blk, D), lambda i: (i, 0)),
            pl.BlockSpec((blk, D), lambda i: (i, 0)),
            pl.BlockSpec((blk, D), lambda i: (i, 0)),
        ],
        out_shape=(out, out, out),
    )(aggp, y, dis, W1, b1, W2, b2)


@functools.lru_cache(maxsize=1)
def _sc_kernels():
    mesh = plsc.VectorSubcoreMesh(
        core_axis_name="c", subcore_axis_name="s", num_cores=NC, num_subcores=NS
    )
    deg_kernel = pl.kernel(
        _deg_body,
        out_type=jax.ShapeDtypeStruct((NC, NP), jnp.float32),
        mesh=mesh,
        scratch_types=[
            pltpu.VMEM_SHARED((NP,), jnp.float32),
            pltpu.VMEM((NCH, CHUNK), jnp.int32),
            pltpu.VMEM((CHUNK,), jnp.float32),
            pltpu.VMEM((ROWS_PER_TILE,), jnp.float32),
            pltpu.SemaphoreType.DMA,
            pltpu.SemaphoreType.DMA,
        ],
    )
    agg_kernel = pl.kernel(
        _agg_body,
        out_type=jax.ShapeDtypeStruct((NC, NP, D), jnp.float32),
        mesh=mesh,
        scratch_types=[
            pltpu.VMEM_SHARED((NP, D), jnp.float32),
            pltpu.VMEM((ROUND * CHUNK,), jnp.int32),
            pltpu.VMEM((ROUND, CHUNK), jnp.int32),
            pltpu.VMEM((2, CHUNK, D), jnp.float32),
            pltpu.SemaphoreType.DMA,
            pltpu.SemaphoreType.DMA,
        ],
    )
    return deg_kernel, agg_kernel


def kernel(x, edge_index, W1, b1, W2, b2):
    src = edge_index[0].astype(jnp.int32)
    dst = edge_index[1].astype(jnp.int32)
    pad = EP - N_EDGES
    ar = jnp.arange(pad, dtype=jnp.int32)
    dst_p = jnp.concatenate([dst, N_NODES + ar % (NP - N_NODES)]
                            ).reshape(NW * NCH, CHUNK)

    deg_kernel, agg_kernel = _sc_kernels()
    degp = deg_kernel(dst_p)

    src_b, x_b = lax.optimization_barrier((src, x))
    src_p = jnp.concatenate([src_b, ar % N_NODES])
    x_p = jnp.zeros((NP, D), jnp.float32).at[:N_NODES].set(x_b)

    y, dis = _scale_call(x_p, degp)
    aggp = agg_kernel(src_p, dst_p, y)
    x3, x1, x2 = _head_call(aggp, y, dis, W1, b1.reshape(1, D),
                            W2, b2.reshape(1, D))
    return (x3, x1, x2)

# --- scband reference (transcript-rebuilt; emitter-appended) ---
"""Pipeline reference for scband-cls-80530636800126 (READ-ONLY COPY).

The authoritative reference and input builder live on the scoring server;
editing this copy changes nothing except your own understanding.
"""

import jax, jax.numpy as jnp
import numpy as np

N_NODES = 10000
N_EDGES = 320000
D_IN = 128
D_OUT = 128


def _gcn_conv(x, src, dst, W, b):
    # GCNConv: out = D^{-1/2} (A + I) D^{-1/2} (x W) + b
    N = x.shape[0]
    loop = jnp.arange(N, dtype=src.dtype)
    src_sl = jnp.concatenate([src, loop])
    dst_sl = jnp.concatenate([dst, loop])
    ones = jnp.ones(src_sl.shape[0], dtype=x.dtype)
    deg = jnp.zeros(N, dtype=x.dtype).at[dst_sl].add(ones)
    deg_inv_sqrt = jnp.where(deg > 0, jax.lax.rsqrt(jnp.maximum(deg, 1e-12)), 0.0)
    norm = deg_inv_sqrt[src_sl] * deg_inv_sqrt[dst_sl]
    h = x @ W
    msg = h[src_sl] * norm[:, None]
    out = jnp.zeros_like(h).at[dst_sl].add(msg)
    return out + b


def setup_inputs(seed: int = 0) -> dict:
    key = jax.random.key(seed)
    k1, k2, k3, k4 = jax.random.split(key, 4)
    x = jax.random.normal(k1, (N_NODES, D_IN), dtype=jnp.float32)
    edge_index = jax.random.randint(k2, (2, N_EDGES), 0, N_NODES).astype(jnp.int64)
    glorot = float(np.sqrt(6.0 / (D_IN + D_OUT)))
    W1 = jax.random.uniform(k3, (D_IN, D_OUT), dtype=jnp.float32, minval=-glorot, maxval=glorot)
    W2 = jax.random.uniform(k4, (D_IN, D_OUT), dtype=jnp.float32, minval=-glorot, maxval=glorot)
    b1 = jnp.zeros((D_OUT,), dtype=jnp.float32)
    b2 = jnp.zeros((D_OUT,), dtype=jnp.float32)
    return {"x": x, "edge_index": edge_index, "W1": W1, "b1": b1, "W2": W2, "b2": b2}


def reference(x, edge_index, W1, b1, W2, b2):
    src = edge_index[0]
    dst = edge_index[1]
    x_1 = _gcn_conv(x, src, dst, W1, b1)
    x_2 = _gcn_conv(x, src, dst, W2, b2)
    x_3 = jax.nn.log_softmax(x_1 + x_2, axis=1)
    return (x_3, x_1, x_2)

if __name__ == "__main__":
    import jax
    _d = setup_inputs()
    print(jax.jit(kernel)(*tuple(_d.values())))

</pallas_src>

<mosaic_0001>
#map = affine_map<(d0, d1) -> (0)>
#map1 = affine_map<(d0, d1) -> (0, 0)>
#map2 = affine_map<(d0, d1) -> (0, 0, 0)>
module attributes {stable_mosaic.version = 14 : i64} {
  func.func @_agg_body(%arg0: i32, %arg1: i32, %arg2: memref<327680xi32, #tpu.memory_space<hbm>>, %arg3: memref<2560x128xi32, #tpu.memory_space<hbm>>, %arg4: memref<10240x128xf32, #tpu.memory_space<hbm>>, %arg5: memref<2x10240x128xf32, #tpu.memory_space<hbm>>, %arg6: memref<10240x128xf32, #tpu.memory_space<vmem_shared>>, %arg7: memref<5120xi32, #tpu.memory_space<vmem>>, %arg8: memref<40x128xi32, #tpu.memory_space<vmem>>, %arg9: memref<2x128x128xf32, #tpu.memory_space<vmem>>, %arg10: memref<!tpu.dma_semaphore, #tpu.memory_space<semaphore_mem>>, %arg11: memref<!tpu.dma_semaphore, #tpu.memory_space<semaphore_mem>>) attributes {dimension_semantics = [#tpu.dimension_semantics<core_parallel>, #tpu.dimension_semantics<subcore_parallel>], iteration_bounds = array<i64: 2, 16>, scalar_prefetch = 0 : i64, scratch_operands = 6 : i64, tpu.core_type = #tpu.core_type<sc_vector_subcore>, window_params = [{transform_indices = #map}, {transform_indices = #map1}, {transform_indices = #map1}, {transform_indices = #map2}]} {
    "tpu.trace_start"() <{level = 10 : i32, message = "ph_zero"}> : () -> ()
    %scan3A = arith.constant 0 : i32
    %scan3A_0 = arith.constant 0 : i32
    %scan3A_1 = arith.constant 128 : i32
    %scan3A_2 = arith.addi %scan3A_0, %scan3A_1 : i32
    %scan3A_3 = arith.constant 1 : i32
    scf.for %scan3A_102 = %scan3A_0 to %scan3A_2 step %scan3A_3  : i32 {
      %broadcast_in_dim3A = arith.constant 0.000000e+00 : f32
      %broadcast_in_dim3A_103 = vector.broadcast %broadcast_in_dim3A : f32 to vector<16xf32>
      %swap3A = arith.constant 0 : i32
      %swap3A_104 = arith.index_cast %swap3A : i32 to index
      %swap3A_105 = arith.index_cast %scan3A_102 : i32 to index
      %swap3A_106 = arith.constant 0 : index
      %swap3A_107 = tpu.vector_load %arg9[%swap3A_104, %swap3A_105, %swap3A_106] {strides = array<i32>} : memref<2x128x128xf32, #tpu.memory_space<vmem>>, vector<1x1x16xf32>,
      %swap3A_108 = vector.shape_cast %swap3A_107 : vector<1x1x16xf32> to vector<16xf32>
      %swap3A_109 = vector.shape_cast %broadcast_in_dim3A_103 : vector<16xf32> to vector<1x1x16xf32>
      tpu.vector_store %arg9[%swap3A_104, %swap3A_105, %swap3A_106], %swap3A_109 {strides = array<i32>} : memref<2x128x128xf32, #tpu.memory_space<vmem>>, vector<1x1x16xf32>,
      %broadcast_in_dim3A_110 = arith.constant 0.000000e+00 : f32
      %broadcast_in_dim3A_111 = vector.broadcast %broadcast_in_dim3A_110 : f32 to vector<16xf32>
      %swap3A_112 = arith.constant 0 : i32
      %swap3A_113 = arith.index_cast %swap3A_112 : i32 to index
      %swap3A_114 = arith.index_cast %scan3A_102 : i32 to index
      %swap3A_115 = arith.constant 16 : index
      %swap3A_116 = tpu.vector_load %arg9[%swap3A_113, %swap3A_114, %swap3A_115] {strides = array<i32>} : memref<2x128x128xf32, #tpu.memory_space<vmem>>, vector<1x1x16xf32>,
      %swap3A_117 = vector.shape_cast %swap3A_116 : vector<1x1x16xf32> to vector<16xf32>
      %swap3A_118 = vector.shape_cast %broadcast_in_dim3A_111 : vector<16xf32> to vector<1x1x16xf32>
      tpu.vector_store %arg9[%swap3A_113, %swap3A_114, %swap3A_115], %swap3A_118 {strides = array<i32>} : memref<2x128x128xf32, #tpu.memory_space<vmem>>, vector<1x1x16xf32>,
      %broadcast_in_dim3A_119 = arith.constant 0.000000e+00 : f32
      %broadcast_in_dim3A_120 = vector.broadcast %broadcast_in_dim3A_119 : f32 to vector<16xf32>
      %swap3A_121 = arith.constant 0 : i32
      %swap3A_122 = arith.index_cast %swap3A_121 : i32 to index
      %swap3A_123 = arith.index_cast %scan3A_102 : i32 to index
      %swap3A_124 = arith.constant 32 : index
      %swap3A_125 = tpu.vector_load %arg9[%swap3A_122, %swap3A_123, %swap3A_124] {strides = array<i32>} : memref<2x128x128xf32, #tpu.memory_space<vmem>>, vector<1x1x16xf32>,
      %swap3A_126 = vector.shape_cast %swap3A_125 : vector<1x1x16xf32> to vector<16xf32>
      %swap3A_127 = vector.shape_cast %broadcast_in_dim3A_120 : vector<16xf32> to vector<1x1x16xf32>
      tpu.vector_store %arg9[%swap3A_122, %swap3A_123, %swap3A_124], %swap3A_127 {strides = array<i32>} : memref<2x128x128xf32, #tpu.memory_space<vmem>>, vector<1x1x16xf32>,
      %broadcast_in_dim3A_128 = arith.constant 0.000000e+00 : f32
      %broadcast_in_dim3A_129 = vector.broadcast %broadcast_in_dim3A_128 : f32 to vector<16xf32>
      %swap3A_130 = arith.constant 0 : i32
      %swap3A_131 = arith.index_cast %swap3A_130 : i32 to index
      %swap3A_132 = arith.index_cast %scan3A_102 : i32 to index
      %swap3A_133 = arith.constant 48 : index
      %swap3A_134 = tpu.vector_load %arg9[%swap3A_131, %swap3A_132, %swap3A_133] {strides = array<i32>} : memref<2x128x128xf32, #tpu.memory_space<vmem>>, vector<1x1x16xf32>,
      %swap3A_135 = vector.shape_cast %swap3A_134 : vector<1x1x16xf32> to vector<16xf32>
      %swap3A_136 = vector.shape_cast %broadcast_in_dim3A_129 : vector<16xf32> to vector<1x1x16xf32>
      tpu.vector_store %arg9[%swap3A_131, %swap3A_132, %swap3A_133], %swap3A_136 {strides = array<i32>} : memref<2x128x128xf32, #tpu.memory_space<vmem>>, vector<1x1x16xf32>,
      %broadcast_in_dim3A_137 = arith.constant 0.000000e+00 : f32
      %broadcast_in_dim3A_138 = vector.broadcast %broadcast_in_dim3A_137 : f32 to vector<16xf32>
      %swap3A_139 = arith.constant 0 : i32
      %swap3A_140 = arith.index_cast %swap3A_139 : i32 to index
      %swap3A_141 = arith.index_cast %scan3A_102 : i32 to index
      %swap3A_142 = arith.constant 64 : index
      %swap3A_143 = tpu.vector_load %arg9[%swap3A_140, %swap3A_141, %swap3A_142] {strides = array<i32>} : memref<2x128x128xf32, #tpu.memory_space<vmem>>, vector<1x1x16xf32>,
      %swap3A_144 = vector.shape_cast %swap3A_143 : vector<1x1x16xf32> to vector<16xf32>
      %swap3A_145 = vector.shape_cast %broadcast_in_dim3A_138 : vector<16xf32> to vector<1x1x16xf32>
      tpu.vector_store %arg9[%swap3A_140, %swap3A_141, %swap3A_142], %swap3A_145 {strides = array<i32>} : memref<2x128x128xf32, #tpu.memory_space<vmem>>, vector<1x1x16xf32>,
      %broadcast_in_dim3A_146 = arith.constant 0.000000e+00 : f32
      %broadcast_in_dim3A_147 = vector.broadcast %broadcast_in_dim3A_146 : f32 to vector<16xf32>
      %swap3A_148 = arith.constant 0 : i32
      %swap3A_149 = arith.index_cast %swap3A_148 : i32 to index
      %swap3A_150 = arith.index_cast %scan3A_102 : i32 to index
      %swap3A_151 = arith.constant 80 : index
      %swap3A_152 = tpu.vector_load %arg9[%swap3A_149, %swap3A_150, %swap3A_151] {strides = array<i32>} : memref<2x128x128xf32, #tpu.memory_space<vmem>>, vector<1x1x16xf32>,
      %swap3A_153 = vector.shape_cast %swap3A_152 : vector<1x1x16xf32> to vector<16xf32>
      %swap3A_154 = vector.shape_cast %broadcast_in_dim3A_147 : vector<16xf32> to vector<1x1x16xf32>
      tpu.vector_store %arg9[%swap3A_149, %swap3A_150, %swap3A_151], %swap3A_154 {strides = array<i32>} : memref<2x128x128xf32, #tpu.memory_space<vmem>>, vector<1x1x16xf32>,
      %broadcast_in_dim3A_155 = arith.constant 0.000000e+00 : f32
      %broadcast_in_dim3A_156 = vector.broadcast %broadcast_in_dim3A_155 : f32 to vector<16xf32>
      %swap3A_157 = arith.constant 0 : i32
      %swap3A_158 = arith.index_cast %swap3A_157 : i32 to index
      %swap3A_159 = arith.index_cast %scan3A_102 : i32 to index
      %swap3A_160 = arith.constant 96 : index
      %swap3A_161 = tpu.vector_load %arg9[%swap3A_158, %swap3A_159, %swap3A_160] {strides = array<i32>} : memref<2x128x128xf32, #tpu.memory_space<vmem>>, vector<1x1x16xf32>,
      %swap3A_162 = vector.shape_cast %swap3A_161 : vector<1x1x16xf32> to vector<16xf32>
      %swap3A_163 = vector.shape_cast %broadcast_in_dim3A_156 : vector<16xf32> to vector<1x1x16xf32>
      tpu.vector_store %arg9[%swap3A_158, %swap3A_159, %swap3A_160], %swap3A_163 {strides = array<i32>} : memref<2x128x128xf32, #tpu.memory_space<vmem>>, vector<1x1x16xf32>,
      %broadcast_in_dim3A_164 = arith.constant 0.000000e+00 : f32
      %broadcast_in_dim3A_165 = vector.broadcast %broadcast_in_dim3A_164 : f32 to vector<16xf32>
      %swap3A_166 = arith.constant 0 : i32
      %swap3A_167 = arith.index_cast %swap3A_166 : i32 to index
      %swap3A_168 = arith.index_cast %scan3A_102 : i32 to index
      %swap3A_169 = arith.constant 112 : index
      %swap3A_170 = tpu.vector_load %arg9[%swap3A_167, %swap3A_168, %swap3A_169] {strides = array<i32>} : memref<2x128x128xf32, #tpu.memory_space<vmem>>, vector<1x1x16xf32>,
      %swap3A_171 = vector.shape_cast %swap3A_170 : vector<1x1x16xf32> to vector<16xf32>
      %swap3A_172 = vector.shape_cast %broadcast_in_dim3A_165 : vector<16xf32> to vector<1x1x16xf32>
      tpu.vector_store %arg9[%swap3A_167, %swap3A_168, %swap3A_169], %swap3A_172 {strides = array<i32>} : memref<2x128x128xf32, #tpu.memory_space<vmem>>, vector<1x1x16xf32>,
    }
    %scan3A_4 = arith.constant 128 : i32
    %mul3A = arith.constant 640 : i32
    %mul3A_5 = arith.muli %arg1, %mul3A : i32
    %add3A = arith.constant 0 : i32
    %add3A_6 = arith.addi %mul3A_5, %add3A : i32
    %run_scoped3A = arith.constant 0 : i32
    "tpu.region"() ({
      %run_scoped3A_102 = tpu.sem_alloc : memref<!tpu.dma_semaphore, #tpu.memory_space<semaphore_mem>>
      %dma_start3A_103 = arith.constant 0 : i32
      %dma_start3A_104 = arith.constant 0 : i32
      %dma_start3A_105 = tpu.memref_slice %arg9[%run_scoped3A, %dma_start3A_103, %dma_start3A_104] : memref<2x128x128xf32, #tpu.memory_space<vmem>> -> memref<1x128x128xf32, #tpu.memory_space<vmem>>
      %dma_start3A_106 = tpu.memref_squeeze %dma_start3A_105 : memref<1x128x128xf32, #tpu.memory_space<vmem>> -> memref<128x128xf32, #tpu.memory_space<vmem>>
      %dma_start3A_107 = arith.constant 0 : i32
      %dma_start3A_108 = tpu.memref_slice %arg6[%add3A_6, %dma_start3A_107] : memref<10240x128xf32, #tpu.memory_space<vmem_shared>> -> memref<128x128xf32, #tpu.memory_space<vmem_shared>>
      %dma_start3A_109 = arith.constant 0 : i32
      %dma_start3A_110 = tpu.memref_slice %arg6[%add3A_6, %dma_start3A_109] : memref<10240x128xf32, #tpu.memory_space<vmem_shared>> -> memref<128x128xf32, #tpu.memory_space<vmem_shared>>
      %dma_start3A_111 = arith.constant 0 : i32
      %dma_start3A_112 = arith.constant 0 : i32
      %dma_start3A_113 = tpu.memref_slice %arg9[%run_scoped3A, %dma_start3A_111, %dma_start3A_112] : memref<2x128x128xf32, #tpu.memory_space<vmem>> -> memref<1x128x128xf32, #tpu.memory_space<vmem>>
      %dma_start3A_114 = tpu.memref_squeeze %dma_start3A_113 : memref<1x128x128xf32, #tpu.memory_space<vmem>> -> memref<128x128xf32, #tpu.memory_space<vmem>>
      tpu.enqueue_dma source(%dma_start3A_114 : memref<128x128xf32, #tpu.memory_space<vmem>>) target(%dma_start3A_110 : memref<128x128xf32, #tpu.memory_space<vmem_shared>>) target_semaphore(%run_scoped3A_102 : memref<!tpu.dma_semaphore, #tpu.memory_space<semaphore_mem>>)
      %dma_wait3A = arith.constant 0 : i32
      %dma_wait3A_115 = arith.constant 0 : i32
      %dma_wait3A_116 = tpu.memref_slice %arg9[%run_scoped3A, %dma_wait3A, %dma_wait3A_115] : memref<2x128x128xf32, #tpu.memory_space<vmem>> -> memref<1x128x128xf32, #tpu.memory_space<vmem>>
      %dma_wait3A_117 = tpu.memref_squeeze %dma_wait3A_116 : memref<1x128x128xf32, #tpu.memory_space<vmem>> -> memref<128x128xf32, #tpu.memory_space<vmem>>
      %dma_wait3A_118 = arith.constant 0 : i32
      %dma_wait3A_119 = tpu.memref_slice %arg6[%add3A_6, %dma_wait3A_118] : memref<10240x128xf32, #tpu.memory_space<vmem_shared>> -> memref<128x128xf32, #tpu.memory_space<vmem_shared>>
      %dma_wait3A_120 = arith.constant 0 : i32
      %dma_wait3A_121 = tpu.memref_slice %arg6[%add3A_6, %dma_wait3A_120] : memref<10240x128xf32, #tpu.memory_space<vmem_shared>> -> memref<128x128xf32, #tpu.memory_space<vmem_shared>>
      %dma_wait3A_122 = arith.constant 0 : i32
      %dma_wait3A_123 = arith.constant 0 : i32
      %dma_wait3A_124 = tpu.memref_slice %arg9[%run_scoped3A, %dma_wait3A_122, %dma_wait3A_123] : memref<2x128x128xf32, #tpu.memory_space<vmem>> -> memref<1x128x128xf32, #tpu.memory_space<vmem>>
      %dma_wait3A_125 = tpu.memref_squeeze %dma_wait3A_124 : memref<1x128x128xf32, #tpu.memory_space<vmem>> -> memref<128x128xf32, #tpu.memory_space<vmem>>
      tpu.wait_dma2 semaphore(%run_scoped3A_102 : memref<!tpu.dma_semaphore, #tpu.memory_space<semaphore_mem>>) src(%dma_wait3A_125 : memref<128x128xf32, #tpu.memory_space<vmem>>) dst(%dma_wait3A_121 : memref<128x128xf32, #tpu.memory_space<vmem_shared>>)
      tpu.yield
    }) : () -> ()
    %mul3A_7 = arith.constant 640 : i32
    %mul3A_8 = arith.muli %arg1, %mul3A_7 : i32
    %add3A_9 = arith.constant 128 : i32
    %add3A_10 = arith.addi %mul3A_8, %add3A_9 : i32
    %run_scoped3A_11 = arith.constant 0 : i32
    "tpu.region"() ({
      %run_scoped3A_102 = tpu.sem_alloc : memref<!tpu.dma_semaphore, #tpu.memory_space<semaphore_mem>>
      %dma_start3A_103 = arith.constant 0 : i32
      %dma_start3A_104 = arith.constant 0 : i32
      %dma_start3A_105 = tpu.memref_slice %arg9[%run_scoped3A_11, %dma_start3A_103, %dma_start3A_104] : memref<2x128x128xf32, #tpu.memory_space<vmem>> -> memref<1x128x128xf32, #tpu.memory_space<vmem>>
      %dma_start3A_106 = tpu.memref_squeeze %dma_start3A_105 : memref<1x128x128xf32, #tpu.memory_space<vmem>> -> memref<128x128xf32, #tpu.memory_space<vmem>>
      %dma_start3A_107 = arith.constant 0 : i32
      %dma_start3A_108 = tpu.memref_slice %arg6[%add3A_10, %dma_start3A_107] : memref<10240x128xf32, #tpu.memory_space<vmem_shared>> -> memref<128x128xf32, #tpu.memory_space<vmem_shared>>
      %dma_start3A_109 = arith.constant 0 : i32
      %dma_start3A_110 = tpu.memref_slice %arg6[%add3A_10, %dma_start3A_109] : memref<10240x128xf32, #tpu.memory_space<vmem_shared>> -> memref<128x128xf32, #tpu.memory_space<vmem_shared>>
      %dma_start3A_111 = arith.constant 0 : i32
      %dma_start3A_112 = arith.constant 0 : i32
      %dma_start3A_113 = tpu.memref_slice %arg9[%run_scoped3A_11, %dma_start3A_111, %dma_start3A_112] : memref<2x128x128xf32, #tpu.memory_space<vmem>> -> memref<1x128x128xf32, #tpu.memory_space<vmem>>
      %dma_start3A_114 = tpu.memref_squeeze %dma_start3A_113 : memref<1x128x128xf32, #tpu.memory_space<vmem>> -> memref<128x128xf32, #tpu.memory_space<vmem>>
      tpu.enqueue_dma source(%dma_start3A_114 : memref<128x128xf32, #tpu.memory_space<vmem>>) target(%dma_start3A_110 : memref<128x128xf32, #tpu.memory_space<vmem_shared>>) target_semaphore(%run_scoped3A_102 : memref<!tpu.dma_semaphore, #tpu.memory_space<semaphore_mem>>)
      %dma_wait3A = arith.constant 0 : i32
      %dma_wait3A_115 = arith.constant 0 : i32
      %dma_wait3A_116 = tpu.memref_slice %arg9[%run_scoped3A_11, %dma_wait3A, %dma_wait3A_115] : memref<2x128x128xf32, #tpu.memory_space<vmem>> -> memref<1x128x128xf32, #tpu.memory_space<vmem>>
      %dma_wait3A_117 = tpu.memref_squeeze %dma_wait3A_116 : memref<1x128x128xf32, #tpu.memory_space<vmem>> -> memref<128x128xf32, #tpu.memory_space<vmem>>
      %dma_wait3A_118 = arith.constant 0 : i32
      %dma_wait3A_119 = tpu.memref_slice %arg6[%add3A_10, %dma_wait3A_118] : memref<10240x128xf32, #tpu.memory_space<vmem_shared>> -> memref<128x128xf32, #tpu.memory_space<vmem_shared>>
      %dma_wait3A_120 = arith.constant 0 : i32
      %dma_wait3A_121 = tpu.memref_slice %arg6[%add3A_10, %dma_wait3A_120] : memref<10240x128xf32, #tpu.memory_space<vmem_shared>> -> memref<128x128xf32, #tpu.memory_space<vmem_shared>>
      %dma_wait3A_122 = arith.constant 0 : i32
      %dma_wait3A_123 = arith.constant 0 : i32
      %dma_wait3A_124 = tpu.memref_slice %arg9[%run_scoped3A_11, %dma_wait3A_122, %dma_wait3A_123] : memref<2x128x128xf32, #tpu.memory_space<vmem>> -> memref<1x128x128xf32, #tpu.memory_space<vmem>>
      %dma_wait3A_125 = tpu.memref_squeeze %dma_wait3A_124 : memref<1x128x128xf32, #tpu.memory_space<vmem>> -> memref<128x128xf32, #tpu.memory_space<vmem>>
      tpu.wait_dma2 semaphore(%run_scoped3A_102 : memref<!tpu.dma_semaphore, #tpu.memory_space<semaphore_mem>>) src(%dma_wait3A_125 : memref<128x128xf32, #tpu.memory_space<vmem>>) dst(%dma_wait3A_121 : memref<128x128xf32, #tpu.memory_space<vmem_shared>>)
      tpu.yield
    }) : () -> ()
    %mul3A_12 = arith.constant 640 : i32
    %mul3A_13 = arith.muli %arg1, %mul3A_12 : i32
    %add3A_14 = arith.constant 256 : i32
    %add3A_15 = arith.addi %mul3A_13, %add3A_14 : i32
    %run_scoped3A_16 = arith.constant 0 : i32
    "tpu.region"() ({
      %run_scoped3A_102 = tpu.sem_alloc : memref<!tpu.dma_semaphore, #tpu.memory_space<semaphore_mem>>
      %dma_start3A_103 = arith.constant 0 : i32
      %dma_start3A_104 = arith.constant 0 : i32
      %dma_start3A_105 = tpu.memref_slice %arg9[%run_scoped3A_16, %dma_start3A_103, %dma_start3A_104] : memref<2x128x128xf32, #tpu.memory_space<vmem>> -> memref<1x128x128xf32, #tpu.memory_space<vmem>>
      %dma_start3A_106 = tpu.memref_squeeze %dma_start3A_105 : memref<1x128x128xf32, #tpu.memory_space<vmem>> -> memref<128x128xf32, #tpu.memory_space<vmem>>
      %dma_start3A_107 = arith.constant 0 : i32
      %dma_start3A_108 = tpu.memref_slice %arg6[%add3A_15, %dma_start3A_107] : memref<10240x128xf32, #tpu.memory_space<vmem_shared>> -> memref<128x128xf32, #tpu.memory_space<vmem_shared>>
      %dma_start3A_109 = arith.constant 0 : i32
      %dma_start3A_110 = tpu.memref_slice %arg6[%add3A_15, %dma_start3A_109] : memref<10240x128xf32, #tpu.memory_space<vmem_shared>> -> memref<128x128xf32, #tpu.memory_space<vmem_shared>>
      %dma_start3A_111 = arith.constant 0 : i32
      %dma_start3A_112 = arith.constant 0 : i32
      %dma_start3A_113 = tpu.memref_slice %arg9[%run_scoped3A_16, %dma_start3A_111, %dma_start3A_112] : memref<2x128x128xf32, #tpu.memory_space<vmem>> -> memref<1x128x128xf32, #tpu.memory_space<vmem>>
      %dma_start3A_114 = tpu.memref_squeeze %dma_start3A_113 : memref<1x128x128xf32, #tpu.memory_space<vmem>> -> memref<128x128xf32, #tpu.memory_space<vmem>>
      tpu.enqueue_dma source(%dma_start3A_114 : memref<128x128xf32, #tpu.memory_space<vmem>>) target(%dma_start3A_110 : memref<128x128xf32, #tpu.memory_space<vmem_shared>>) target_semaphore(%run_scoped3A_102 : memref<!tpu.dma_semaphore, #tpu.memory_space<semaphore_mem>>)
      %dma_wait3A = arith.constant 0 : i32
      %dma_wait3A_115 = arith.constant 0 : i32
      %dma_wait3A_116 = tpu.memref_slice %arg9[%run_scoped3A_16, %dma_wait3A, %dma_wait3A_115] : memref<2x128x128xf32, #tpu.memory_space<vmem>> -> memref<1x128x128xf32, #tpu.memory_space<vmem>>
      %dma_wait3A_117 = tpu.memref_squeeze %dma_wait3A_116 : memref<1x128x128xf32, #tpu.memory_space<vmem>> -> memref<128x128xf32, #tpu.memory_space<vmem>>
      %dma_wait3A_118 = arith.constant 0 : i32
      %dma_wait3A_119 = tpu.memref_slice %arg6[%add3A_15, %dma_wait3A_118] : memref<10240x128xf32, #tpu.memory_space<vmem_shared>> -> memref<128x128xf32, #tpu.memory_space<vmem_shared>>
      %dma_wait3A_120 = arith.constant 0 : i32
      %dma_wait3A_121 = tpu.memref_slice %arg6[%add3A_15, %dma_wait3A_120] : memref<10240x128xf32, #tpu.memory_space<vmem_shared>> -> memref<128x128xf32, #tpu.memory_space<vmem_shared>>
      %dma_wait3A_122 = arith.constant 0 : i32
      %dma_wait3A_123 = arith.constant 0 : i32
      %dma_wait3A_124 = tpu.memref_slice %arg9[%run_scoped3A_16, %dma_wait3A_122, %dma_wait3A_123] : memref<2x128x128xf32, #tpu.memory_space<vmem>> -> memref<1x128x128xf32, #tpu.memory_space<vmem>>
      %dma_wait3A_125 = tpu.memref_squeeze %dma_wait3A_124 : memref<1x128x128xf32, #tpu.memory_space<vmem>> -> memref<128x128xf32, #tpu.memory_space<vmem>>
      tpu.wait_dma2 semaphore(%run_scoped3A_102 : memref<!tpu.dma_semaphore, #tpu.memory_space<semaphore_mem>>) src(%dma_wait3A_125 : memref<128x128xf32, #tpu.memory_space<vmem>>) dst(%dma_wait3A_121 : memref<128x128xf32, #tpu.memory_space<vmem_shared>>)
      tpu.yield
    }) : () -> ()
    %mul3A_17 = arith.constant 640 : i32
    %mul3A_18 = arith.muli %arg1, %mul3A_17 : i32
    %add3A_19 = arith.constant 384 : i32
    %add3A_20 = arith.addi %mul3A_18, %add3A_19 : i32
    %run_scoped3A_21 = arith.constant 0 : i32
    "tpu.region"() ({
      %run_scoped3A_102 = tpu.sem_alloc : memref<!tpu.dma_semaphore, #tpu.memory_space<semaphore_mem>>
      %dma_start3A_103 = arith.constant 0 : i32
      %dma_start3A_104 = arith.constant 0 : i32
      %dma_start3A_105 = tpu.memref_slice %arg9[%run_scoped3A_21, %dma_start3A_103, %dma_start3A_104] : memref<2x128x128xf32, #tpu.memory_space<vmem>> -> memref<1x128x128xf32, #tpu.memory_space<vmem>>
      %dma_start3A_106 = tpu.memref_squeeze %dma_start3A_105 : memref<1x128x128xf32, #tpu.memory_space<vmem>> -> memref<128x128xf32, #tpu.memory_space<vmem>>
      %dma_start3A_107 = arith.constant 0 : i32
      %dma_start3A_108 = tpu.memref_slice %arg6[%add3A_20, %dma_start3A_107] : memref<10240x128xf32, #tpu.memory_space<vmem_shared>> -> memref<128x128xf32, #tpu.memory_space<vmem_shared>>
      %dma_start3A_109 = arith.constant 0 : i32
      %dma_start3A_110 = tpu.memref_slice %arg6[%add3A_20, %dma_start3A_109] : memref<10240x128xf32, #tpu.memory_space<vmem_shared>> -> memref<128x128xf32, #tpu.memory_space<vmem_shared>>
      %dma_start3A_111 = arith.constant 0 : i32
      %dma_start3A_112 = arith.constant 0 : i32
      %dma_start3A_113 = tpu.memref_slice %arg9[%run_scoped3A_21, %dma_start3A_111, %dma_start3A_112] : memref<2x128x128xf32, #tpu.memory_space<vmem>> -> memref<1x128x128xf32, #tpu.memory_space<vmem>>
      %dma_start3A_114 = tpu.memref_squeeze %dma_start3A_113 : memref<1x128x128xf32, #tpu.memory_space<vmem>> -> memref<128x128xf32, #tpu.memory_space<vmem>>
      tpu.enqueue_dma source(%dma_start3A_114 : memref<128x128xf32, #tpu.memory_space<vmem>>) target(%dma_start3A_110 : memref<128x128xf32, #tpu.memory_space<vmem_shared>>) target_semaphore(%run_scoped3A_102 : memref<!tpu.dma_semaphore, #tpu.memory_space<semaphore_mem>>)
      %dma_wait3A = arith.constant 0 : i32
      %dma_wait3A_115 = arith.constant 0 : i32
      %dma_wait3A_116 = tpu.memref_slice %arg9[%run_scoped3A_21, %dma_wait3A, %dma_wait3A_115] : memref<2x128x128xf32, #tpu.memory_space<vmem>> -> memref<1x128x128xf32, #tpu.memory_space<vmem>>
      %dma_wait3A_117 = tpu.memref_squeeze %dma_wait3A_116 : memref<1x128x128xf32, #tpu.memory_space<vmem>> -> memref<128x128xf32, #tpu.memory_space<vmem>>
      %dma_wait3A_118 = arith.constant 0 : i32
      %dma_wait3A_119 = tpu.memref_slice %arg6[%add3A_20, %dma_wait3A_118] : memref<10240x128xf32, #tpu.memory_space<vmem_shared>> -> memref<128x128xf32, #tpu.memory_space<vmem_shared>>
      %dma_wait3A_120 = arith.constant 0 : i32
      %dma_wait3A_121 = tpu.memref_slice %arg6[%add3A_20, %dma_wait3A_120] : memref<10240x128xf32, #tpu.memory_space<vmem_shared>> -> memref<128x128xf32, #tpu.memory_space<vmem_shared>>
      %dma_wait3A_122 = arith.constant 0 : i32
      %dma_wait3A_123 = arith.constant 0 : i32
      %dma_wait3A_124 = tpu.memref_slice %arg9[%run_scoped3A_21, %dma_wait3A_122, %dma_wait3A_123] : memref<2x128x128xf32, #tpu.memory_space<vmem>> -> memref<1x128x128xf32, #tpu.memory_space<vmem>>
      %dma_wait3A_125 = tpu.memref_squeeze %dma_wait3A_124 : memref<1x128x128xf32, #tpu.memory_space<vmem>> -> memref<128x128xf32, #tpu.memory_space<vmem>>
      tpu.wait_dma2 semaphore(%run_scoped3A_102 : memref<!tpu.dma_semaphore, #tpu.memory_space<semaphore_mem>>) src(%dma_wait3A_125 : memref<128x128xf32, #tpu.memory_space<vmem>>) dst(%dma_wait3A_121 : memref<128x128xf32, #tpu.memory_space<vmem_shared>>)
      tpu.yield
    }) : () -> ()
    %mul3A_22 = arith.constant 640 : i32
    %mul3A_23 = arith.muli %arg1, %mul3A_22 : i32
    %add3A_24 = arith.constant 512 : i32
    %add3A_25 = arith.addi %mul3A_23, %add3A_24 : i32
    %run_scoped3A_26 = arith.constant 0 : i32
    "tpu.region"() ({
      %run_scoped3A_102 = tpu.sem_alloc : memref<!tpu.dma_semaphore, #tpu.memory_space<semaphore_mem>>
      %dma_start3A_103 = arith.constant 0 : i32
      %dma_start3A_104 = arith.constant 0 : i32
      %dma_start3A_105 = tpu.memref_slice %arg9[%run_scoped3A_26, %dma_start3A_103, %dma_start3A_104] : memref<2x128x128xf32, #tpu.memory_space<vmem>> -> memref<1x128x128xf32, #tpu.memory_space<vmem>>
      %dma_start3A_106 = tpu.memref_squeeze %dma_start3A_105 : memref<1x128x128xf32, #tpu.memory_space<vmem>> -> memref<128x128xf32, #tpu.memory_space<vmem>>
      %dma_start3A_107 = arith.constant 0 : i32
      %dma_start3A_108 = tpu.memref_slice %arg6[%add3A_25, %dma_start3A_107] : memref<10240x128xf32, #tpu.memory_space<vmem_shared>> -> memref<128x128xf32, #tpu.memory_space<vmem_shared>>
      %dma_start3A_109 = arith.constant 0 : i32
      %dma_start3A_110 = tpu.memref_slice %arg6[%add3A_25, %dma_start3A_109] : memref<10240x128xf32, #tpu.memory_space<vmem_shared>> -> memref<128x128xf32, #tpu.memory_space<vmem_shared>>
      %dma_start3A_111 = arith.constant 0 : i32
      %dma_start3A_112 = arith.constant 0 : i32
      %dma_start3A_113 = tpu.memref_slice %arg9[%run_scoped3A_26, %dma_start3A_111, %dma_start3A_112] : memref<2x128x128xf32, #tpu.memory_space<vmem>> -> memref<1x128x128xf32, #tpu.memory_space<vmem>>
      %dma_start3A_114 = tpu.memref_squeeze %dma_start3A_113 : memref<1x128x128xf32, #tpu.memory_space<vmem>> -> memref<128x128xf32, #tpu.memory_space<vmem>>
      tpu.enqueue_dma source(%dma_start3A_114 : memref<128x128xf32, #tpu.memory_space<vmem>>) target(%dma_start3A_110 : memref<128x128xf32, #tpu.memory_space<vmem_shared>>) target_semaphore(%run_scoped3A_102 : memref<!tpu.dma_semaphore, #tpu.memory_space<semaphore_mem>>)
      %dma_wait3A = arith.constant 0 : i32
      %dma_wait3A_115 = arith.constant 0 : i32
      %dma_wait3A_116 = tpu.memref_slice %arg9[%run_scoped3A_26, %dma_wait3A, %dma_wait3A_115] : memref<2x128x128xf32, #tpu.memory_space<vmem>> -> memref<1x128x128xf32, #tpu.memory_space<vmem>>
      %dma_wait3A_117 = tpu.memref_squeeze %dma_wait3A_116 : memref<1x128x128xf32, #tpu.memory_space<vmem>> -> memref<128x128xf32, #tpu.memory_space<vmem>>
      %dma_wait3A_118 = arith.constant 0 : i32
      %dma_wait3A_119 = tpu.memref_slice %arg6[%add3A_25, %dma_wait3A_118] : memref<10240x128xf32, #tpu.memory_space<vmem_shared>> -> memref<128x128xf32, #tpu.memory_space<vmem_shared>>
      %dma_wait3A_120 = arith.constant 0 : i32
      %dma_wait3A_121 = tpu.memref_slice %arg6[%add3A_25, %dma_wait3A_120] : memref<10240x128xf32, #tpu.memory_space<vmem_shared>> -> memref<128x128xf32, #tpu.memory_space<vmem_shared>>
      %dma_wait3A_122 = arith.constant 0 : i32
      %dma_wait3A_123 = arith.constant 0 : i32
      %dma_wait3A_124 = tpu.memref_slice %arg9[%run_scoped3A_26, %dma_wait3A_122, %dma_wait3A_123] : memref<2x128x128xf32, #tpu.memory_space<vmem>> -> memref<1x128x128xf32, #tpu.memory_space<vmem>>
      %dma_wait3A_125 = tpu.memref_squeeze %dma_wait3A_124 : memref<1x128x128xf32, #tpu.memory_space<vmem>> -> memref<128x128xf32, #tpu.memory_space<vmem>>
      tpu.wait_dma2 semaphore(%run_scoped3A_102 : memref<!tpu.dma_semaphore, #tpu.memory_space<semaphore_mem>>) src(%dma_wait3A_125 : memref<128x128xf32, #tpu.memory_space<vmem>>) dst(%dma_wait3A_121 : memref<128x128xf32, #tpu.memory_space<vmem_shared>>)
      tpu.yield
    }) : () -> ()
    %barrier3A = arith.constant 0 : index
    tpu.barrier barrier_id(%barrier3A)
    "tpu.trace_stop"() : () -> ()
    %mul3A_27 = arith.constant 16 : i32
    %mul3A_28 = arith.muli %arg0, %mul3A_27 : i32
    %add3A_29 = arith.addi %mul3A_28, %arg1 : i32
    "tpu.trace_start"() <{level = 10 : i32, message = "ph_edges"}> : () -> ()
    %mul3A_30 = arith.constant 80 : i32
    %mul3A_31 = arith.muli %add3A_29, %mul3A_30 : i32
    %add3A_32 = arith.constant 0 : i32
    %add3A_33 = arith.addi %mul3A_31, %add3A_32 : i32
    %mul3A_34 = arith.constant 128 : i32
    %mul3A_35 = arith.muli %add3A_33, %mul3A_34 : i32
    "tpu.region"() ({
      %run_scoped3A_102 = tpu.sem_alloc : memref<!tpu.dma_semaphore, #tpu.memory_space<semaphore_mem>>
      %dma_start3A_103 = tpu.memref_slice %arg2[%mul3A_35] : memref<327680xi32, #tpu.memory_space<hbm>> -> memref<5120xi32, #tpu.memory_space<hbm>>
      %dma_start3A_104 = tpu.memref_slice %arg2[%mul3A_35] : memref<327680xi32, #tpu.memory_space<hbm>> -> memref<5120xi32, #tpu.memory_space<hbm>>
      tpu.enqueue_dma source(%dma_start3A_104 : memref<5120xi32, #tpu.memory_space<hbm>>) target(%arg7 : memref<5120xi32, #tpu.memory_space<vmem>>) target_semaphore(%run_scoped3A_102 : memref<!tpu.dma_semaphore, #tpu.memory_space<semaphore_mem>>)
      %dma_wait3A = tpu.memref_slice %arg2[%mul3A_35] : memref<327680xi32, #tpu.memory_space<hbm>> -> memref<5120xi32, #tpu.memory_space<hbm>>
      %dma_wait3A_105 = tpu.memref_slice %arg2[%mul3A_35] : memref<327680xi32, #tpu.memory_space<hbm>> -> memref<5120xi32, #tpu.memory_space<hbm>>
      tpu.wait_dma2 semaphore(%run_scoped3A_102 : memref<!tpu.dma_semaphore, #tpu.memory_space<semaphore_mem>>) src(%dma_wait3A_105 : memref<5120xi32, #tpu.memory_space<hbm>>) dst(%arg7 : memref<5120xi32, #tpu.memory_space<vmem>>)
      tpu.yield
    }) : () -> ()
    %mul3A_36 = arith.constant 80 : i32
    %mul3A_37 = arith.muli %add3A_29, %mul3A_36 : i32
    %add3A_38 = arith.constant 0 : i32
    %add3A_39 = arith.addi %mul3A_37, %add3A_38 : i32
    "tpu.region"() ({
      %run_scoped3A_102 = tpu.sem_alloc : memref<!tpu.dma_semaphore, #tpu.memory_space<semaphore_mem>>
      %dma_start3A_103 = arith.constant 0 : i32
      %dma_start3A_104 = tpu.memref_slice %arg3[%add3A_39, %dma_start3A_103] : memref<2560x128xi32, #tpu.memory_space<hbm>> -> memref<40x128xi32, #tpu.memory_space<hbm>>
      %dma_start3A_105 = arith.constant 0 : i32
      %dma_start3A_106 = tpu.memref_slice %arg3[%add3A_39, %dma_start3A_105] : memref<2560x128xi32, #tpu.memory_space<hbm>> -> memref<40x128xi32, #tpu.memory_space<hbm>>
      tpu.enqueue_dma source(%dma_start3A_106 : memref<40x128xi32, #tpu.memory_space<hbm>>) target(%arg8 : memref<40x128xi32, #tpu.memory_space<vmem>>) target_semaphore(%run_scoped3A_102 : memref<!tpu.dma_semaphore, #tpu.memory_space<semaphore_mem>>)
      %dma_wait3A = arith.constant 0 : i32
      %dma_wait3A_107 = tpu.memref_slice %arg3[%add3A_39, %dma_wait3A] : memref<2560x128xi32, #tpu.memory_space<hbm>> -> memref<40x128xi32, #tpu.memory_space<hbm>>
      %dma_wait3A_108 = arith.constant 0 : i32
      %dma_wait3A_109 = tpu.memref_slice %arg3[%add3A_39, %dma_wait3A_108] : memref<2560x128xi32, #tpu.memory_space<hbm>> -> memref<40x128xi32, #tpu.memory_space<hbm>>
      tpu.wait_dma2 semaphore(%run_scoped3A_102 : memref<!tpu.dma_semaphore, #tpu.memory_space<semaphore_mem>>) src(%dma_wait3A_109 : memref<40x128xi32, #tpu.memory_space<hbm>>) dst(%arg8 : memref<40x128xi32, #tpu.memory_space<vmem>>)
      tpu.yield
    }) : () -> ()
    %dma_start3A = arith.constant 0 : i32
    %dma_start3A_40 = arith.constant 0 : i32
    %dma_start3A_41 = arith.constant 0 : i32
    %dma_start3A_42 = tpu.memref_slice %arg9[%dma_start3A, %dma_start3A_40, %dma_start3A_41] : memref<2x128x128xf32, #tpu.memory_space<vmem>> -> memref<1x128x128xf32, #tpu.memory_space<vmem>>
    %dma_start3A_43 = tpu.memref_squeeze %dma_start3A_42 : memref<1x128x128xf32, #tpu.memory_space<vmem>> -> memref<128x128xf32, #tpu.memory_space<vmem>>
    %dma_start3A_44 = arith.constant 0 : i32
    %dma_start3A_45 = tpu.memref_slice %arg7[%dma_start3A_44] : memref<5120xi32, #tpu.memory_space<vmem>> -> memref<128xi32, #tpu.memory_space<vmem>>
    %dma_start3A_46 = arith.constant 0 : i32
    %dma_start3A_47 = arith.constant 0 : i32
    %dma_start3A_48 = tpu.memref_slice %arg4[%dma_start3A_46, %dma_start3A_47] : memref<10240x128xf32, #tpu.memory_space<hbm>> -> memref<10240x128xf32, #tpu.memory_space<hbm>>
    tpu.enqueue_indirect_dma source(%dma_start3A_48 : memref<10240x128xf32, #tpu.memory_space<hbm>>) target(%dma_start3A_43 : memref<128x128xf32, #tpu.memory_space<vmem>>) offsets(%dma_start3A_45 : memref<128xi32, #tpu.memory_space<vmem>>) semaphore(%arg10 : memref<!tpu.dma_semaphore, #tpu.memory_space<semaphore_mem>>)
    %scan3A_49 = arith.constant 0 : i32
    %scan3A_50 = arith.constant 0 : i32
    %scan3A_51 = arith.constant 20 : i32
    %scan3A_52 = arith.addi %scan3A_50, %scan3A_51 : i32
    %scan3A_53 = arith.constant 1 : i32
    scf.for %scan3A_102 = %scan3A_50 to %scan3A_52 step %scan3A_53  : i32 {
      %mul3A_103 = arith.constant 2 : i32
      %mul3A_104 = arith.muli %scan3A_102, %mul3A_103 : i32
      %add3A_105 = arith.constant 1 : i32
      %add3A_106 = arith.addi %mul3A_104, %add3A_105 : i32
      %mul3A_107 = arith.constant 128 : i32
      %mul3A_108 = arith.muli %add3A_106, %mul3A_107 : i32
      %dma_start3A_109 = arith.constant 1 : i32
      %dma_start3A_110 = arith.constant 0 : i32
      %dma_start3A_111 = arith.constant 0 : i32
      %dma_start3A_112 = tpu.memref_slice %arg9[%dma_start3A_109, %dma_start3A_110, %dma_start3A_111] : memref<2x128x128xf32, #tpu.memory_space<vmem>> -> memref<1x128x128xf32, #tpu.memory_space<vmem>>
      %dma_start3A_113 = tpu.memref_squeeze %dma_start3A_112 : memref<1x128x128xf32, #tpu.memory_space<vmem>> -> memref<128x128xf32, #tpu.memory_space<vmem>>
      %dma_start3A_114 = tpu.memref_slice %arg7[%mul3A_108] : memref<5120xi32, #tpu.memory_space<vmem>> -> memref<128xi32, #tpu.memory_space<vmem>>
      %dma_start3A_115 = arith.constant 0 : i32
      %dma_start3A_116 = arith.constant 0 : i32
      %dma_start3A_117 = tpu.memref_slice %arg4[%dma_start3A_115, %dma_start3A_116] : memref<10240x128xf32, #tpu.memory_space<hbm>> -> memref<10240x128xf32, #tpu.memory_space<hbm>>
      tpu.enqueue_indirect_dma source(%dma_start3A_117 : memref<10240x128xf32, #tpu.memory_space<hbm>>) target(%dma_start3A_113 : memref<128x128xf32, #tpu.memory_space<vmem>>) offsets(%dma_start3A_114 : memref<128xi32, #tpu.memory_space<vmem>>) semaphore(%arg11 : memref<!tpu.dma_semaphore, #tpu.memory_space<semaphore_mem>>)
      %mul3A_118 = arith.constant 128 : i32
      %mul3A_119 = arith.muli %mul3A_104, %mul3A_118 : i32
      %dma_wait3A = arith.constant 0 : i32
      %dma_wait3A_120 = arith.constant 0 : i32
      %dma_wait3A_121 = arith.constant 0 : i32
      %dma_wait3A_122 = tpu.memref_slice %arg9[%dma_wait3A, %dma_wait3A_120, %dma_wait3A_121] : memref<2x128x128xf32, #tpu.memory_space<vmem>> -> memref<1x128x128xf32, #tpu.memory_space<vmem>>
      %dma_wait3A_123 = tpu.memref_squeeze %dma_wait3A_122 : memref<1x128x128xf32, #tpu.memory_space<vmem>> -> memref<128x128xf32, #tpu.memory_space<vmem>>
      %dma_wait3A_124 = tpu.memref_slice %arg7[%mul3A_119] : memref<5120xi32, #tpu.memory_space<vmem>> -> memref<128xi32, #tpu.memory_space<vmem>>
      %dma_wait3A_125 = arith.constant 0 : i32
      %dma_wait3A_126 = arith.constant 0 : i32
      %dma_wait3A_127 = tpu.memref_slice %arg4[%dma_wait3A_125, %dma_wait3A_126] : memref<10240x128xf32, #tpu.memory_space<hbm>> -> memref<10240x128xf32, #tpu.memory_space<hbm>>
      tpu.wait_indirect_dma semaphore(%arg10 : memref<!tpu.dma_semaphore, #tpu.memory_space<semaphore_mem>>) src(%dma_wait3A_127 : memref<10240x128xf32, #tpu.memory_space<hbm>>) dst(%dma_wait3A_123 : memref<128x128xf32, #tpu.memory_space<vmem>>)
      %run_scoped3A_128 = arith.constant 0 : i32
      "tpu.region"() ({
        %run_scoped3A_149 = tpu.sem_alloc : memref<!tpu.dma_semaphore, #tpu.memory_space<semaphore_mem>>
        %dma_start3A_150 = arith.constant 0 : i32
        %dma_start3A_151 = arith.constant 0 : i32
        %dma_start3A_152 = tpu.memref_slice %arg9[%run_scoped3A_128, %dma_start3A_150, %dma_start3A_151] : memref<2x128x128xf32, #tpu.memory_space<vmem>> -> memref<1x128x128xf32, #tpu.memory_space<vmem>>
        %dma_start3A_153 = tpu.memref_squeeze %dma_start3A_152 : memref<1x128x128xf32, #tpu.memory_space<vmem>> -> memref<128x128xf32, #tpu.memory_space<vmem>>
        %dma_start3A_154 = arith.constant 0 : i32
        %dma_start3A_155 = tpu.memref_slice %arg8[%mul3A_104, %dma_start3A_154] : memref<40x128xi32, #tpu.memory_space<vmem>> -> memref<1x128xi32, #tpu.memory_space<vmem>>
        %dma_start3A_156 = tpu.memref_squeeze %dma_start3A_155 : memref<1x128xi32, #tpu.memory_space<vmem>> -> memref<128xi32, #tpu.memory_space<vmem>>
        %dma_start3A_157 = arith.constant 0 : i32
        %dma_start3A_158 = arith.constant 0 : i32
        %dma_start3A_159 = tpu.memref_slice %arg6[%dma_start3A_157, %dma_start3A_158] : memref<10240x128xf32, #tpu.memory_space<vmem_shared>> -> memref<10240x128xf32, #tpu.memory_space<vmem_shared>>
        tpu.enqueue_indirect_dma source(%dma_start3A_153 : memref<128x128xf32, #tpu.memory_space<vmem>>) target(%dma_start3A_159 : memref<10240x128xf32, #tpu.memory_space<vmem_shared>>) offsets(%dma_start3A_156 : memref<128xi32, #tpu.memory_space<vmem>>) semaphore(%run_scoped3A_149 : memref<!tpu.dma_semaphore, #tpu.memory_space<semaphore_mem>>) {add = true}
        %dma_wait3A_160 = arith.constant 0 : i32
        %dma_wait3A_161 = arith.constant 0 : i32
        %dma_wait3A_162 = tpu.memref_slice %arg9[%run_scoped3A_128, %dma_wait3A_160, %dma_wait3A_161] : memref<2x128x128xf32, #tpu.memory_space<vmem>> -> memref<1x128x128xf32, #tpu.memory_space<vmem>>
        %dma_wait3A_163 = tpu.memref_squeeze %dma_wait3A_162 : memref<1x128x128xf32, #tpu.memory_space<vmem>> -> memref<128x128xf32, #tpu.memory_space<vmem>>
        %dma_wait3A_164 = arith.constant 0 : i32
        %dma_wait3A_165 = tpu.memref_slice %arg8[%mul3A_104, %dma_wait3A_164] : memref<40x128xi32, #tpu.memory_space<vmem>> -> memref<1x128xi32, #tpu.memory_space<vmem>>
        %dma_wait3A_166 = tpu.memref_squeeze %dma_wait3A_165 : memref<1x128xi32, #tpu.memory_space<vmem>> -> memref<128xi32, #tpu.memory_space<vmem>>
        %dma_wait3A_167 = arith.constant 0 : i32
        %dma_wait3A_168 = arith.constant 0 : i32
        %dma_wait3A_169 = tpu.memref_slice %arg6[%dma_wait3A_167, %dma_wait3A_168] : memref<10240x128xf32, #tpu.memory_space<vmem_shared>> -> memref<10240x128xf32, #tpu.memory_space<vmem_shared>>
        tpu.wait_indirect_dma semaphore(%run_scoped3A_149 : memref<!tpu.dma_semaphore, #tpu.memory_space<semaphore_mem>>) src(%dma_wait3A_163 : memref<128x128xf32, #tpu.memory_space<vmem>>) dst(%dma_wait3A_169 : memref<10240x128xf32, #tpu.memory_space<vmem_shared>>)
        tpu.yield
      }) : () -> ()
      %add3A_129 = arith.constant 2 : i32
      %add3A_130 = arith.addi %mul3A_104, %add3A_129 : i32
      %lt3A = arith.constant 40 : i32
      %lt3A_131 = arith.cmpi slt, %add3A_130, %lt3A : i32
      %convert_element_type3A = arith.extui %lt3A_131 : i1 to i32
      %cond3A = arith.constant 0 : i32
      %cond3A_132 = arith.cmpi ne, %convert_element_type3A, %cond3A : i32
      scf.if %cond3A_132 {
        %add3A_149 = arith.constant 2 : i32
        %add3A_150 = arith.addi %mul3A_104, %add3A_149 : i32
        %mul3A_151 = arith.constant 128 : i32
        %mul3A_152 = arith.muli %add3A_150, %mul3A_151 : i32
        %dma_start3A_153 = arith.constant 0 : i32
        %dma_start3A_154 = arith.constant 0 : i32
        %dma_start3A_155 = arith.constant 0 : i32
        %dma_start3A_156 = tpu.memref_slice %arg9[%dma_start3A_153, %dma_start3A_154, %dma_start3A_155] : memref<2x128x128xf32, #tpu.memory_space<vmem>> -> memref<1x128x128xf32, #tpu.memory_space<vmem>>
        %dma_start3A_157 = tpu.memref_squeeze %dma_start3A_156 : memref<1x128x128xf32, #tpu.memory_space<vmem>> -> memref<128x128xf32, #tpu.memory_space<vmem>>
        %dma_start3A_158 = tpu.memref_slice %arg7[%mul3A_152] : memref<5120xi32, #tpu.memory_space<vmem>> -> memref<128xi32, #tpu.memory_space<vmem>>
        %dma_start3A_159 = arith.constant 0 : i32
        %dma_start3A_160 = arith.constant 0 : i32
        %dma_start3A_161 = tpu.memref_slice %arg4[%dma_start3A_159, %dma_start3A_160] : memref<10240x128xf32, #tpu.memory_space<hbm>> -> memref<10240x128xf32, #tpu.memory_space<hbm>>
        tpu.enqueue_indirect_dma source(%dma_start3A_161 : memref<10240x128xf32, #tpu.memory_space<hbm>>) target(%dma_start3A_157 : memref<128x128xf32, #tpu.memory_space<vmem>>) offsets(%dma_start3A_158 : memref<128xi32, #tpu.memory_space<vmem>>) semaphore(%arg10 : memref<!tpu.dma_semaphore, #tpu.memory_space<semaphore_mem>>)
      } else {
      }
      %add3A_133 = arith.constant 1 : i32
      %add3A_134 = arith.addi %mul3A_104, %add3A_133 : i32
      %mul3A_135 = arith.constant 128 : i32
      %mul3A_136 = arith.muli %add3A_134, %mul3A_135 : i32
      %dma_wait3A_137 = arith.constant 1 : i32
      %dma_wait3A_138 = arith.constant 0 : i32
      %dma_wait3A_139 = arith.constant 0 : i32
      %dma_wait3A_140 = tpu.memref_slice %arg9[%dma_wait3A_137, %dma_wait3A_138, %dma_wait3A_139] : memref<2x128x128xf32, #tpu.memory_space<vmem>> -> memref<1x128x128xf32, #tpu.memory_space<vmem>>
      %dma_wait3A_141 = tpu.memref_squeeze %dma_wait3A_140 : memref<1x128x128xf32, #tpu.memory_space<vmem>> -> memref<128x128xf32, #tpu.memory_space<vmem>>
      %dma_wait3A_142 = tpu.memref_slice %arg7[%mul3A_136] : memref<5120xi32, #tpu.memory_space<vmem>> -> memref<128xi32, #tpu.memory_space<vmem>>
      %dma_wait3A_143 = arith.constant 0 : i32
      %dma_wait3A_144 = arith.constant 0 : i32
      %dma_wait3A_145 = tpu.memref_slice %arg4[%dma_wait3A_143, %dma_wait3A_144] : memref<10240x128xf32, #tpu.memory_space<hbm>> -> memref<10240x128xf32, #tpu.memory_space<hbm>>
      tpu.wait_indirect_dma semaphore(%arg11 : memref<!tpu.dma_semaphore, #tpu.memory_space<semaphore_mem>>) src(%dma_wait3A_145 : memref<10240x128xf32, #tpu.memory_space<hbm>>) dst(%dma_wait3A_141 : memref<128x128xf32, #tpu.memory_space<vmem>>)
      %add3A_146 = arith.constant 1 : i32
      %add3A_147 = arith.addi %mul3A_104, %add3A_146 : i32
      %run_scoped3A_148 = arith.constant 1 : i32
      "tpu.region"() ({
        %run_scoped3A_149 = tpu.sem_alloc : memref<!tpu.dma_semaphore, #tpu.memory_space<semaphore_mem>>
        %dma_start3A_150 = arith.constant 0 : i32
        %dma_start3A_151 = arith.constant 0 : i32
        %dma_start3A_152 = tpu.memref_slice %arg9[%run_scoped3A_148, %dma_start3A_150, %dma_start3A_151] : memref<2x128x128xf32, #tpu.memory_space<vmem>> -> memref<1x128x128xf32, #tpu.memory_space<vmem>>
        %dma_start3A_153 = tpu.memref_squeeze %dma_start3A_152 : memref<1x128x128xf32, #tpu.memory_space<vmem>> -> memref<128x128xf32, #tpu.memory_space<vmem>>
        %dma_start3A_154 = arith.constant 0 : i32
        %dma_start3A_155 = tpu.memref_slice %arg8[%add3A_147, %dma_start3A_154] : memref<40x128xi32, #tpu.memory_space<vmem>> -> memref<1x128xi32, #tpu.memory_space<vmem>>
        %dma_start3A_156 = tpu.memref_squeeze %dma_start3A_155 : memref<1x128xi32, #tpu.memory_space<vmem>> -> memref<128xi32, #tpu.memory_space<vmem>>
        %dma_start3A_157 = arith.constant 0 : i32
        %dma_start3A_158 = arith.constant 0 : i32
        %dma_start3A_159 = tpu.memref_slice %arg6[%dma_start3A_157, %dma_start3A_158] : memref<10240x128xf32, #tpu.memory_space<vmem_shared>> -> memref<10240x128xf32, #tpu.memory_space<vmem_shared>>
        tpu.enqueue_indirect_dma source(%dma_start3A_153 : memref<128x128xf32, #tpu.memory_space<vmem>>) target(%dma_start3A_159 : memref<10240x128xf32, #tpu.memory_space<vmem_shared>>) offsets(%dma_start3A_156 : memref<128xi32, #tpu.memory_space<vmem>>) semaphore(%run_scoped3A_149 : memref<!tpu.dma_semaphore, #tpu.memory_space<semaphore_mem>>) {add = true}
        %dma_wait3A_160 = arith.constant 0 : i32
        %dma_wait3A_161 = arith.constant 0 : i32
        %dma_wait3A_162 = tpu.memref_slice %arg9[%run_scoped3A_148, %dma_wait3A_160, %dma_wait3A_161] : memref<2x128x128xf32, #tpu.memory_space<vmem>> -> memref<1x128x128xf32, #tpu.memory_space<vmem>>
        %dma_wait3A_163 = tpu.memref_squeeze %dma_wait3A_162 : memref<1x128x128xf32, #tpu.memory_space<vmem>> -> memref<128x128xf32, #tpu.memory_space<vmem>>
        %dma_wait3A_164 = arith.constant 0 : i32
        %dma_wait3A_165 = tpu.memref_slice %arg8[%add3A_147, %dma_wait3A_164] : memref<40x128xi32, #tpu.memory_space<vmem>> -> memref<1x128xi32, #tpu.memory_space<vmem>>
        %dma_wait3A_166 = tpu.memref_squeeze %dma_wait3A_165 : memref<1x128xi32, #tpu.memory_space<vmem>> -> memref<128xi32, #tpu.memory_space<vmem>>
        %dma_wait3A_167 = arith.constant 0 : i32
        %dma_wait3A_168 = arith.constant 0 : i32
        %dma_wait3A_169 = tpu.memref_slice %arg6[%dma_wait3A_167, %dma_wait3A_168] : memref<10240x128xf32, #tpu.memory_space<vmem_shared>> -> memref<10240x128xf32, #tpu.memory_space<vmem_shared>>
        tpu.wait_indirect_dma semaphore(%run_scoped3A_149 : memref<!tpu.dma_semaphore, #tpu.memory_space<semaphore_mem>>) src(%dma_wait3A_163 : memref<128x128xf32, #tpu.memory_space<vmem>>) dst(%dma_wait3A_169 : memref<10240x128xf32, #tpu.memory_space<vmem_shared>>)
        tpu.yield
      }) : () -> ()
    }
    %scan3A_54 = arith.constant 20 : i32
    %mul3A_55 = arith.constant 80 : i32
    %mul3A_56 = arith.muli %add3A_29, %mul3A_55 : i32
    %add3A_57 = arith.constant 40 : i32
    %add3A_58 = arith.addi %mul3A_56, %add3A_57 : i32
    %mul3A_59 = arith.constant 128 : i32
    %mul3A_60 = arith.muli %add3A_58, %mul3A_59 : i32
    "tpu.region"() ({
      %run_scoped3A_102 = tpu.sem_alloc : memref<!tpu.dma_semaphore, #tpu.memory_space<semaphore_mem>>
      %dma_start3A_103 = tpu.memref_slice %arg2[%mul3A_60] : memref<327680xi32, #tpu.memory_space<hbm>> -> memref<5120xi32, #tpu.memory_space<hbm>>
      %dma_start3A_104 = tpu.memref_slice %arg2[%mul3A_60] : memref<327680xi32, #tpu.memory_space<hbm>> -> memref<5120xi32, #tpu.memory_space<hbm>>
      tpu.enqueue_dma source(%dma_start3A_104 : memref<5120xi32, #tpu.memory_space<hbm>>) target(%arg7 : memref<5120xi32, #tpu.memory_space<vmem>>) target_semaphore(%run_scoped3A_102 : memref<!tpu.dma_semaphore, #tpu.memory_space<semaphore_mem>>)
      %dma_wait3A = tpu.memref_slice %arg2[%mul3A_60] : memref<327680xi32, #tpu.memory_space<hbm>> -> memref<5120xi32, #tpu.memory_space<hbm>>
      %dma_wait3A_105 = tpu.memref_slice %arg2[%mul3A_60] : memref<327680xi32, #tpu.memory_space<hbm>> -> memref<5120xi32, #tpu.memory_space<hbm>>
      tpu.wait_dma2 semaphore(%run_scoped3A_102 : memref<!tpu.dma_semaphore, #tpu.memory_space<semaphore_mem>>) src(%dma_wait3A_105 : memref<5120xi32, #tpu.memory_space<hbm>>) dst(%arg7 : memref<5120xi32, #tpu.memory_space<vmem>>)
      tpu.yield
    }) : () -> ()
    %mul3A_61 = arith.constant 80 : i32
    %mul3A_62 = arith.muli %add3A_29, %mul3A_61 : i32
    %add3A_63 = arith.constant 40 : i32
    %add3A_64 = arith.addi %mul3A_62, %add3A_63 : i32
    "tpu.region"() ({
      %run_scoped3A_102 = tpu.sem_alloc : memref<!tpu.dma_semaphore, #tpu.memory_space<semaphore_mem>>
      %dma_start3A_103 = arith.constant 0 : i32
      %dma_start3A_104 = tpu.memref_slice %arg3[%add3A_64, %dma_start3A_103] : memref<2560x128xi32, #tpu.memory_space<hbm>> -> memref<40x128xi32, #tpu.memory_space<hbm>>
      %dma_start3A_105 = arith.constant 0 : i32
      %dma_start3A_106 = tpu.memref_slice %arg3[%add3A_64, %dma_start3A_105] : memref<2560x128xi32, #tpu.memory_space<hbm>> -> memref<40x128xi32, #tpu.memory_space<hbm>>
      tpu.enqueue_dma source(%dma_start3A_106 : memref<40x128xi32, #tpu.memory_space<hbm>>) target(%arg8 : memref<40x128xi32, #tpu.memory_space<vmem>>) target_semaphore(%run_scoped3A_102 : memref<!tpu.dma_semaphore, #tpu.memory_space<semaphore_mem>>)
      %dma_wait3A = arith.constant 0 : i32
      %dma_wait3A_107 = tpu.memref_slice %arg3[%add3A_64, %dma_wait3A] : memref<2560x128xi32, #tpu.memory_space<hbm>> -> memref<40x128xi32, #tpu.memory_space<hbm>>
      %dma_wait3A_108 = arith.constant 0 : i32
      %dma_wait3A_109 = tpu.memref_slice %arg3[%add3A_64, %dma_wait3A_108] : memref<2560x128xi32, #tpu.memory_space<hbm>> -> memref<40x128xi32, #tpu.memory_space<hbm>>
      tpu.wait_dma2 semaphore(%run_scoped3A_102 : memref<!tpu.dma_semaphore, #tpu.memory_space<semaphore_mem>>) src(%dma_wait3A_109 : memref<40x128xi32, #tpu.memory_space<hbm>>) dst(%arg8 : memref<40x128xi32, #tpu.memory_space<vmem>>)
      tpu.yield
    }) : () -> ()
    %dma_start3A_65 = arith.constant 0 : i32
    %dma_start3A_66 = arith.constant 0 : i32
    %dma_start3A_67 = arith.constant 0 : i32
    %dma_start3A_68 = tpu.memref_slice %arg9[%dma_start3A_65, %dma_start3A_66, %dma_start3A_67] : memref<2x128x128xf32, #tpu.memory_space<vmem>> -> memref<1x128x128xf32, #tpu.memory_space<vmem>>
    %dma_start3A_69 = tpu.memref_squeeze %dma_start3A_68 : memref<1x128x128xf32, #tpu.memory_space<vmem>> -> memref<128x128xf32, #tpu.memory_space<vmem>>
    %dma_start3A_70 = arith.constant 0 : i32
    %dma_start3A_71 = tpu.memref_slice %arg7[%dma_start3A_70] : memref<5120xi32, #tpu.memory_space<vmem>> -> memref<128xi32, #tpu.memory_space<vmem>>
    %dma_start3A_72 = arith.constant 0 : i32
    %dma_start3A_73 = arith.constant 0 : i32
    %dma_start3A_74 = tpu.memref_slice %arg4[%dma_start3A_72, %dma_start3A_73] : memref<10240x128xf32, #tpu.memory_space<hbm>> -> memref<10240x128xf32, #tpu.memory_space<hbm>>
    tpu.enqueue_indirect_dma source(%dma_start3A_74 : memref<10240x128xf32, #tpu.memory_space<hbm>>) target(%dma_start3A_69 : memref<128x128xf32, #tpu.memory_space<vmem>>) offsets(%dma_start3A_71 : memref<128xi32, #tpu.memory_space<vmem>>) semaphore(%arg10 : memref<!tpu.dma_semaphore, #tpu.memory_space<semaphore_mem>>)
    %scan3A_75 = arith.constant 0 : i32
    %scan3A_76 = arith.constant 0 : i32
    %scan3A_77 = arith.constant 20 : i32
    %scan3A_78 = arith.addi %scan3A_76, %scan3A_77 : i32
    %scan3A_79 = arith.constant 1 : i32
    scf.for %scan3A_102 = %scan3A_76 to %scan3A_78 step %scan3A_79  : i32 {
      %mul3A_103 = arith.constant 2 : i32
      %mul3A_104 = arith.muli %scan3A_102, %mul3A_103 : i32
      %add3A_105 = arith.constant 1 : i32
      %add3A_106 = arith.addi %mul3A_104, %add3A_105 : i32
      %mul3A_107 = arith.constant 128 : i32
      %mul3A_108 = arith.muli %add3A_106, %mul3A_107 : i32
      %dma_start3A_109 = arith.constant 1 : i32
      %dma_start3A_110 = arith.constant 0 : i32
      %dma_start3A_111 = arith.constant 0 : i32
      %dma_start3A_112 = tpu.memref_slice %arg9[%dma_start3A_109, %dma_start3A_110, %dma_start3A_111] : memref<2x128x128xf32, #tpu.memory_space<vmem>> -> memref<1x128x128xf32, #tpu.memory_space<vmem>>
      %dma_start3A_113 = tpu.memref_squeeze %dma_start3A_112 : memref<1x128x128xf32, #tpu.memory_space<vmem>> -> memref<128x128xf32, #tpu.memory_space<vmem>>
      %dma_start3A_114 = tpu.memref_slice %arg7[%mul3A_108] : memref<5120xi32, #tpu.memory_space<vmem>> -> memref<128xi32, #tpu.memory_space<vmem>>
      %dma_start3A_115 = arith.constant 0 : i32
      %dma_start3A_116 = arith.constant 0 : i32
      %dma_start3A_117 = tpu.memref_slice %arg4[%dma_start3A_115, %dma_start3A_116] : memref<10240x128xf32, #tpu.memory_space<hbm>> -> memref<10240x128xf32, #tpu.memory_space<hbm>>
      tpu.enqueue_indirect_dma source(%dma_start3A_117 : memref<10240x128xf32, #tpu.memory_space<hbm>>) target(%dma_start3A_113 : memref<128x128xf32, #tpu.memory_space<vmem>>) offsets(%dma_start3A_114 : memref<128xi32, #tpu.memory_space<vmem>>) semaphore(%arg11 : memref<!tpu.dma_semaphore, #tpu.memory_space<semaphore_mem>>)
      %mul3A_118 = arith.constant 128 : i32
      %mul3A_119 = arith.muli %mul3A_104, %mul3A_118 : i32
      %dma_wait3A = arith.constant 0 : i32
      %dma_wait3A_120 = arith.constant 0 : i32
      %dma_wait3A_121 = arith.constant 0 : i32
      %dma_wait3A_122 = tpu.memref_slice %arg9[%dma_wait3A, %dma_wait3A_120, %dma_wait3A_121] : memref<2x128x128xf32, #tpu.memory_space<vmem>> -> memref<1x128x128xf32, #tpu.memory_space<vmem>>
      %dma_wait3A_123 = tpu.memref_squeeze %dma_wait3A_122 : memref<1x128x128xf32, #tpu.memory_space<vmem>> -> memref<128x128xf32, #tpu.memory_space<vmem>>
      %dma_wait3A_124 = tpu.memref_slice %arg7[%mul3A_119] : memref<5120xi32, #tpu.memory_space<vmem>> -> memref<128xi32, #tpu.memory_space<vmem>>
      %dma_wait3A_125 = arith.constant 0 : i32
      %dma_wait3A_126 = arith.constant 0 : i32
      %dma_wait3A_127 = tpu.memref_slice %arg4[%dma_wait3A_125, %dma_wait3A_126] : memref<10240x128xf32, #tpu.memory_space<hbm>> -> memref<10240x128xf32, #tpu.memory_space<hbm>>
      tpu.wait_indirect_dma semaphore(%arg10 : memref<!tpu.dma_semaphore, #tpu.memory_space<semaphore_mem>>) src(%dma_wait3A_127 : memref<10240x128xf32, #tpu.memory_space<hbm>>) dst(%dma_wait3A_123 : memref<128x128xf32, #tpu.memory_space<vmem>>)
      %run_scoped3A_128 = arith.constant 0 : i32
      "tpu.region"() ({
        %run_scoped3A_149 = tpu.sem_alloc : memref<!tpu.dma_semaphore, #tpu.memory_space<semaphore_mem>>
        %dma_start3A_150 = arith.constant 0 : i32
        %dma_start3A_151 = arith.constant 0 : i32
        %dma_start3A_152 = tpu.memref_slice %arg9[%run_scoped3A_128, %dma_start3A_150, %dma_start3A_151] : memref<2x128x128xf32, #tpu.memory_space<vmem>> -> memref<1x128x128xf32, #tpu.memory_space<vmem>>
        %dma_start3A_153 = tpu.memref_squeeze %dma_start3A_152 : memref<1x128x128xf32, #tpu.memory_space<vmem>> -> memref<128x128xf32, #tpu.memory_space<vmem>>
        %dma_start3A_154 = arith.constant 0 : i32
        %dma_start3A_155 = tpu.memref_slice %arg8[%mul3A_104, %dma_start3A_154] : memref<40x128xi32, #tpu.memory_space<vmem>> -> memref<1x128xi32, #tpu.memory_space<vmem>>
        %dma_start3A_156 = tpu.memref_squeeze %dma_start3A_155 : memref<1x128xi32, #tpu.memory_space<vmem>> -> memref<128xi32, #tpu.memory_space<vmem>>
        %dma_start3A_157 = arith.constant 0 : i32
        %dma_start3A_158 = arith.constant 0 : i32
        %dma_start3A_159 = tpu.memref_slice %arg6[%dma_start3A_157, %dma_start3A_158] : memref<10240x128xf32, #tpu.memory_space<vmem_shared>> -> memref<10240x128xf32, #tpu.memory_space<vmem_shared>>
        tpu.enqueue_indirect_dma source(%dma_start3A_153 : memref<128x128xf32, #tpu.memory_space<vmem>>) target(%dma_start3A_159 : memref<10240x128xf32, #tpu.memory_space<vmem_shared>>) offsets(%dma_start3A_156 : memref<128xi32, #tpu.memory_space<vmem>>) semaphore(%run_scoped3A_149 : memref<!tpu.dma_semaphore, #tpu.memory_space<semaphore_mem>>) {add = true}
        %dma_wait3A_160 = arith.constant 0 : i32
        %dma_wait3A_161 = arith.constant 0 : i32
        %dma_wait3A_162 = tpu.memref_slice %arg9[%run_scoped3A_128, %dma_wait3A_160, %dma_wait3A_161] : memref<2x128x128xf32, #tpu.memory_space<vmem>> -> memref<1x128x128xf32, #tpu.memory_space<vmem>>
        %dma_wait3A_163 = tpu.memref_squeeze %dma_wait3A_162 : memref<1x128x128xf32, #tpu.memory_space<vmem>> -> memref<128x128xf32, #tpu.memory_space<vmem>>
        %dma_wait3A_164 = arith.constant 0 : i32
        %dma_wait3A_165 = tpu.memref_slice %arg8[%mul3A_104, %dma_wait3A_164] : memref<40x128xi32, #tpu.memory_space<vmem>> -> memref<1x128xi32, #tpu.memory_space<vmem>>
        %dma_wait3A_166 = tpu.memref_squeeze %dma_wait3A_165 : memref<1x128xi32, #tpu.memory_space<vmem>> -> memref<128xi32, #tpu.memory_space<vmem>>
        %dma_wait3A_167 = arith.constant 0 : i32
        %dma_wait3A_168 = arith.constant 0 : i32
        %dma_wait3A_169 = tpu.memref_slice %arg6[%dma_wait3A_167, %dma_wait3A_168] : memref<10240x128xf32, #tpu.memory_space<vmem_shared>> -> memref<10240x128xf32, #tpu.memory_space<vmem_shared>>
        tpu.wait_indirect_dma semaphore(%run_scoped3A_149 : memref<!tpu.dma_semaphore, #tpu.memory_space<semaphore_mem>>) src(%dma_wait3A_163 : memref<128x128xf32, #tpu.memory_space<vmem>>) dst(%dma_wait3A_169 : memref<10240x128xf32, #tpu.memory_space<vmem_shared>>)
        tpu.yield
      }) : () -> ()
      %add3A_129 = arith.constant 2 : i32
      %add3A_130 = arith.addi %mul3A_104, %add3A_129 : i32
      %lt3A = arith.constant 40 : i32
      %lt3A_131 = arith.cmpi slt, %add3A_130, %lt3A : i32
      %convert_element_type3A = arith.extui %lt3A_131 : i1 to i32
      %cond3A = arith.constant 0 : i32
      %cond3A_132 = arith.cmpi ne, %convert_element_type3A, %cond3A : i32
      scf.if %cond3A_132 {
        %add3A_149 = arith.constant 2 : i32
        %add3A_150 = arith.addi %mul3A_104, %add3A_149 : i32
        %mul3A_151 = arith.constant 128 : i32
        %mul3A_152 = arith.muli %add3A_150, %mul3A_151 : i32
        %dma_start3A_153 = arith.constant 0 : i32
        %dma_start3A_154 = arith.constant 0 : i32
        %dma_start3A_155 = arith.constant 0 : i32
        %dma_start3A_156 = tpu.memref_slice %arg9[%dma_start3A_153, %dma_start3A_154, %dma_start3A_155] : memref<2x128x128xf32, #tpu.memory_space<vmem>> -> memref<1x128x128xf32, #tpu.memory_space<vmem>>
        %dma_start3A_157 = tpu.memref_squeeze %dma_start3A_156 : memref<1x128x128xf32, #tpu.memory_space<vmem>> -> memref<128x128xf32, #tpu.memory_space<vmem>>
        %dma_start3A_158 = tpu.memref_slice %arg7[%mul3A_152] : memref<5120xi32, #tpu.memory_space<vmem>> -> memref<128xi32, #tpu.memory_space<vmem>>
        %dma_start3A_159 = arith.constant 0 : i32
        %dma_start3A_160 = arith.constant 0 : i32
        %dma_start3A_161 = tpu.memref_slice %arg4[%dma_start3A_159, %dma_start3A_160] : memref<10240x128xf32, #tpu.memory_space<hbm>> -> memref<10240x128xf32, #tpu.memory_space<hbm>>
        tpu.enqueue_indirect_dma source(%dma_start3A_161 : memref<10240x128xf32, #tpu.memory_space<hbm>>) target(%dma_start3A_157 : memref<128x128xf32, #tpu.memory_space<vmem>>) offsets(%dma_start3A_158 : memref<128xi32, #tpu.memory_space<vmem>>) semaphore(%arg10 : memref<!tpu.dma_semaphore, #tpu.memory_space<semaphore_mem>>)
      } else {
      }
      %add3A_133 = arith.constant 1 : i32
      %add3A_134 = arith.addi %mul3A_104, %add3A_133 : i32
      %mul3A_135 = arith.constant 128 : i32
      %mul3A_136 = arith.muli %add3A_134, %mul3A_135 : i32
      %dma_wait3A_137 = arith.constant 1 : i32
      %dma_wait3A_138 = arith.constant 0 : i32
      %dma_wait3A_139 = arith.constant 0 : i32
      %dma_wait3A_140 = tpu.memref_slice %arg9[%dma_wait3A_137, %dma_wait3A_138, %dma_wait3A_139] : memref<2x128x128xf32, #tpu.memory_space<vmem>> -> memref<1x128x128xf32, #tpu.memory_space<vmem>>
      %dma_wait3A_141 = tpu.memref_squeeze %dma_wait3A_140 : memref<1x128x128xf32, #tpu.memory_space<vmem>> -> memref<128x128xf32, #tpu.memory_space<vmem>>
      %dma_wait3A_142 = tpu.memref_slice %arg7[%mul3A_136] : memref<5120xi32, #tpu.memory_space<vmem>> -> memref<128xi32, #tpu.memory_space<vmem>>
      %dma_wait3A_143 = arith.constant 0 : i32
      %dma_wait3A_144 = arith.constant 0 : i32
      %dma_wait3A_145 = tpu.memref_slice %arg4[%dma_wait3A_143, %dma_wait3A_144] : memref<10240x128xf32, #tpu.memory_space<hbm>> -> memref<10240x128xf32, #tpu.memory_space<hbm>>
      tpu.wait_indirect_dma semaphore(%arg11 : memref<!tpu.dma_semaphore, #tpu.memory_space<semaphore_mem>>) src(%dma_wait3A_145 : memref<10240x128xf32, #tpu.memory_space<hbm>>) dst(%dma_wait3A_141 : memref<128x128xf32, #tpu.memory_space<vmem>>)
      %add3A_146 = arith.constant 1 : i32
      %add3A_147 = arith.addi %mul3A_104, %add3A_146 : i32
      %run_scoped3A_148 = arith.constant 1 : i32
      "tpu.region"() ({
        %run_scoped3A_149 = tpu.sem_alloc : memref<!tpu.dma_semaphore, #tpu.memory_space<semaphore_mem>>
        %dma_start3A_150 = arith.constant 0 : i32
        %dma_start3A_151 = arith.constant 0 : i32
        %dma_start3A_152 = tpu.memref_slice %arg9[%run_scoped3A_148, %dma_start3A_150, %dma_start3A_151] : memref<2x128x128xf32, #tpu.memory_space<vmem>> -> memref<1x128x128xf32, #tpu.memory_space<vmem>>
        %dma_start3A_153 = tpu.memref_squeeze %dma_start3A_152 : memref<1x128x128xf32, #tpu.memory_space<vmem>> -> memref<128x128xf32, #tpu.memory_space<vmem>>
        %dma_start3A_154 = arith.constant 0 : i32
        %dma_start3A_155 = tpu.memref_slice %arg8[%add3A_147, %dma_start3A_154] : memref<40x128xi32, #tpu.memory_space<vmem>> -> memref<1x128xi32, #tpu.memory_space<vmem>>
        %dma_start3A_156 = tpu.memref_squeeze %dma_start3A_155 : memref<1x128xi32, #tpu.memory_space<vmem>> -> memref<128xi32, #tpu.memory_space<vmem>>
        %dma_start3A_157 = arith.constant 0 : i32
        %dma_start3A_158 = arith.constant 0 : i32
        %dma_start3A_159 = tpu.memref_slice %arg6[%dma_start3A_157, %dma_start3A_158] : memref<10240x128xf32, #tpu.memory_space<vmem_shared>> -> memref<10240x128xf32, #tpu.memory_space<vmem_shared>>
        tpu.enqueue_indirect_dma source(%dma_start3A_153 : memref<128x128xf32, #tpu.memory_space<vmem>>) target(%dma_start3A_159 : memref<10240x128xf32, #tpu.memory_space<vmem_shared>>) offsets(%dma_start3A_156 : memref<128xi32, #tpu.memory_space<vmem>>) semaphore(%run_scoped3A_149 : memref<!tpu.dma_semaphore, #tpu.memory_space<semaphore_mem>>) {add = true}
        %dma_wait3A_160 = arith.constant 0 : i32
        %dma_wait3A_161 = arith.constant 0 : i32
        %dma_wait3A_162 = tpu.memref_slice %arg9[%run_scoped3A_148, %dma_wait3A_160, %dma_wait3A_161] : memref<2x128x128xf32, #tpu.memory_space<vmem>> -> memref<1x128x128xf32, #tpu.memory_space<vmem>>
        %dma_wait3A_163 = tpu.memref_squeeze %dma_wait3A_162 : memref<1x128x128xf32, #tpu.memory_space<vmem>> -> memref<128x128xf32, #tpu.memory_space<vmem>>
        %dma_wait3A_164 = arith.constant 0 : i32
        %dma_wait3A_165 = tpu.memref_slice %arg8[%add3A_147, %dma_wait3A_164] : memref<40x128xi32, #tpu.memory_space<vmem>> -> memref<1x128xi32, #tpu.memory_space<vmem>>
        %dma_wait3A_166 = tpu.memref_squeeze %dma_wait3A_165 : memref<1x128xi32, #tpu.memory_space<vmem>> -> memref<128xi32, #tpu.memory_space<vmem>>
        %dma_wait3A_167 = arith.constant 0 : i32
        %dma_wait3A_168 = arith.constant 0 : i32
        %dma_wait3A_169 = tpu.memref_slice %arg6[%dma_wait3A_167, %dma_wait3A_168] : memref<10240x128xf32, #tpu.memory_space<vmem_shared>> -> memref<10240x128xf32, #tpu.memory_space<vmem_shared>>
        tpu.wait_indirect_dma semaphore(%run_scoped3A_149 : memref<!tpu.dma_semaphore, #tpu.memory_space<semaphore_mem>>) src(%dma_wait3A_163 : memref<128x128xf32, #tpu.memory_space<vmem>>) dst(%dma_wait3A_169 : memref<10240x128xf32, #tpu.memory_space<vmem_shared>>)
        tpu.yield
      }) : () -> ()
    }
    %scan3A_80 = arith.constant 20 : i32
    "tpu.trace_stop"() : () -> ()
    "tpu.trace_start"() <{level = 10 : i32, message = "ph_barrier"}> : () -> ()
    %barrier3A_81 = arith.constant 0 : index
    tpu.barrier barrier_id(%barrier3A_81)
    "tpu.trace_stop"() : () -> ()
    "tpu.trace_start"() <{level = 10 : i32, message = "ph_out"}> : () -> ()
    %mul3A_82 = arith.constant 640 : i32
    %mul3A_83 = arith.muli %arg1, %mul3A_82 : i32
    %add3A_84 = arith.constant 0 : i32
    %add3A_85 = arith.addi %mul3A_83, %add3A_84 : i32
    "tpu.region"() ({
      %run_scoped3A_102 = tpu.sem_alloc : memref<!tpu.dma_semaphore, #tpu.memory_space<semaphore_mem>>
      %dma_start3A_103 = arith.constant 0 : i32
      %dma_start3A_104 = tpu.memref_slice %arg5[%arg0, %add3A_85, %dma_start3A_103] : memref<2x10240x128xf32, #tpu.memory_space<hbm>> -> memref<1x128x128xf32, #tpu.memory_space<hbm>>
      %dma_start3A_105 = tpu.memref_squeeze %dma_start3A_104 : memref<1x128x128xf32, #tpu.memory_space<hbm>> -> memref<128x128xf32, #tpu.memory_space<hbm>>
      %dma_start3A_106 = arith.constant 0 : i32
      %dma_start3A_107 = tpu.memref_slice %arg6[%add3A_85, %dma_start3A_106] : memref<10240x128xf32, #tpu.memory_space<vmem_shared>> -> memref<128x128xf32, #tpu.memory_space<vmem_shared>>
      tpu.enqueue_dma source(%dma_start3A_107 : memref<128x128xf32, #tpu.memory_space<vmem_shared>>) target(%dma_start3A_105 : memref<128x128xf32, #tpu.memory_space<hbm>>) target_semaphore(%run_scoped3A_102 : memref<!tpu.dma_semaphore, #tpu.memory_space<semaphore_mem>>)
      %dma_wait3A = arith.constant 0 : i32
      %dma_wait3A_108 = tpu.memref_slice %arg5[%arg0, %add3A_85, %dma_wait3A] : memref<2x10240x128xf32, #tpu.memory_space<hbm>> -> memref<1x128x128xf32, #tpu.memory_space<hbm>>
      %dma_wait3A_109 = tpu.memref_squeeze %dma_wait3A_108 : memref<1x128x128xf32, #tpu.memory_space<hbm>> -> memref<128x128xf32, #tpu.memory_space<hbm>>
      %dma_wait3A_110 = arith.constant 0 : i32
      %dma_wait3A_111 = tpu.memref_slice %arg6[%add3A_85, %dma_wait3A_110] : memref<10240x128xf32, #tpu.memory_space<vmem_shared>> -> memref<128x128xf32, #tpu.memory_space<vmem_shared>>
      tpu.wait_dma2 semaphore(%run_scoped3A_102 : memref<!tpu.dma_semaphore, #tpu.memory_space<semaphore_mem>>) src(%dma_wait3A_111 : memref<128x128xf32, #tpu.memory_space<vmem_shared>>) dst(%dma_wait3A_109 : memref<128x128xf32, #tpu.memory_space<hbm>>)
      tpu.yield
    }) : () -> ()
    %mul3A_86 = arith.constant 640 : i32
    %mul3A_87 = arith.muli %arg1, %mul3A_86 : i32
    %add3A_88 = arith.constant 128 : i32
    %add3A_89 = arith.addi %mul3A_87, %add3A_88 : i32
    "tpu.region"() ({
      %run_scoped3A_102 = tpu.sem_alloc : memref<!tpu.dma_semaphore, #tpu.memory_space<semaphore_mem>>
      %dma_start3A_103 = arith.constant 0 : i32
      %dma_start3A_104 = tpu.memref_slice %arg5[%arg0, %add3A_89, %dma_start3A_103] : memref<2x10240x128xf32, #tpu.memory_space<hbm>> -> memref<1x128x128xf32, #tpu.memory_space<hbm>>
      %dma_start3A_105 = tpu.memref_squeeze %dma_start3A_104 : memref<1x128x128xf32, #tpu.memory_space<hbm>> -> memref<128x128xf32, #tpu.memory_space<hbm>>
      %dma_start3A_106 = arith.constant 0 : i32
      %dma_start3A_107 = tpu.memref_slice %arg6[%add3A_89, %dma_start3A_106] : memref<10240x128xf32, #tpu.memory_space<vmem_shared>> -> memref<128x128xf32, #tpu.memory_space<vmem_shared>>
      tpu.enqueue_dma source(%dma_start3A_107 : memref<128x128xf32, #tpu.memory_space<vmem_shared>>) target(%dma_start3A_105 : memref<128x128xf32, #tpu.memory_space<hbm>>) target_semaphore(%run_scoped3A_102 : memref<!tpu.dma_semaphore, #tpu.memory_space<semaphore_mem>>)
      %dma_wait3A = arith.constant 0 : i32
      %dma_wait3A_108 = tpu.memref_slice %arg5[%arg0, %add3A_89, %dma_wait3A] : memref<2x10240x128xf32, #tpu.memory_space<hbm>> -> memref<1x128x128xf32, #tpu.memory_space<hbm>>
      %dma_wait3A_109 = tpu.memref_squeeze %dma_wait3A_108 : memref<1x128x128xf32, #tpu.memory_space<hbm>> -> memref<128x128xf32, #tpu.memory_space<hbm>>
      %dma_wait3A_110 = arith.constant 0 : i32
      %dma_wait3A_111 = tpu.memref_slice %arg6[%add3A_89, %dma_wait3A_110] : memref<10240x128xf32, #tpu.memory_space<vmem_shared>> -> memref<128x128xf32, #tpu.memory_space<vmem_shared>>
      tpu.wait_dma2 semaphore(%run_scoped3A_102 : memref<!tpu.dma_semaphore, #tpu.memory_space<semaphore_mem>>) src(%dma_wait3A_111 : memref<128x128xf32, #tpu.memory_space<vmem_shared>>) dst(%dma_wait3A_109 : memref<128x128xf32, #tpu.memory_space<hbm>>)
      tpu.yield
    }) : () -> ()
    %mul3A_90 = arith.constant 640 : i32
    %mul3A_91 = arith.muli %arg1, %mul3A_90 : i32
    %add3A_92 = arith.constant 256 : i32
    %add3A_93 = arith.addi %mul3A_91, %add3A_92 : i32
    "tpu.region"() ({
      %run_scoped3A_102 = tpu.sem_alloc : memref<!tpu.dma_semaphore, #tpu.memory_space<semaphore_mem>>
      %dma_start3A_103 = arith.constant 0 : i32
      %dma_start3A_104 = tpu.memref_slice %arg5[%arg0, %add3A_93, %dma_start3A_103] : memref<2x10240x128xf32, #tpu.memory_space<hbm>> -> memref<1x128x128xf32, #tpu.memory_space<hbm>>
      %dma_start3A_105 = tpu.memref_squeeze %dma_start3A_104 : memref<1x128x128xf32, #tpu.memory_space<hbm>> -> memref<128x128xf32, #tpu.memory_space<hbm>>
      %dma_start3A_106 = arith.constant 0 : i32
      %dma_start3A_107 = tpu.memref_slice %arg6[%add3A_93, %dma_start3A_106] : memref<10240x128xf32, #tpu.memory_space<vmem_shared>> -> memref<128x128xf32, #tpu.memory_space<vmem_shared>>
      tpu.enqueue_dma source(%dma_start3A_107 : memref<128x128xf32, #tpu.memory_space<vmem_shared>>) target(%dma_start3A_105 : memref<128x128xf32, #tpu.memory_space<hbm>>) target_semaphore(%run_scoped3A_102 : memref<!tpu.dma_semaphore, #tpu.memory_space<semaphore_mem>>)
      %dma_wait3A = arith.constant 0 : i32
      %dma_wait3A_108 = tpu.memref_slice %arg5[%arg0, %add3A_93, %dma_wait3A] : memref<2x10240x128xf32, #tpu.memory_space<hbm>> -> memref<1x128x128xf32, #tpu.memory_space<hbm>>
      %dma_wait3A_109 = tpu.memref_squeeze %dma_wait3A_108 : memref<1x128x128xf32, #tpu.memory_space<hbm>> -> memref<128x128xf32, #tpu.memory_space<hbm>>
      %dma_wait3A_110 = arith.constant 0 : i32
      %dma_wait3A_111 = tpu.memref_slice %arg6[%add3A_93, %dma_wait3A_110] : memref<10240x128xf32, #tpu.memory_space<vmem_shared>> -> memref<128x128xf32, #tpu.memory_space<vmem_shared>>
      tpu.wait_dma2 semaphore(%run_scoped3A_102 : memref<!tpu.dma_semaphore, #tpu.memory_space<semaphore_mem>>) src(%dma_wait3A_111 : memref<128x128xf32, #tpu.memory_space<vmem_shared>>) dst(%dma_wait3A_109 : memref<128x128xf32, #tpu.memory_space<hbm>>)
      tpu.yield
    }) : () -> ()
    %mul3A_94 = arith.constant 640 : i32
    %mul3A_95 = arith.muli %arg1, %mul3A_94 : i32
    %add3A_96 = arith.constant 384 : i32
    %add3A_97 = arith.addi %mul3A_95, %add3A_96 : i32
    "tpu.region"() ({
      %run_scoped3A_102 = tpu.sem_alloc : memref<!tpu.dma_semaphore, #tpu.memory_space<semaphore_mem>>
      %dma_start3A_103 = arith.constant 0 : i32
      %dma_start3A_104 = tpu.memref_slice %arg5[%arg0, %add3A_97, %dma_start3A_103] : memref<2x10240x128xf32, #tpu.memory_space<hbm>> -> memref<1x128x128xf32, #tpu.memory_space<hbm>>
      %dma_start3A_105 = tpu.memref_squeeze %dma_start3A_104 : memref<1x128x128xf32, #tpu.memory_space<hbm>> -> memref<128x128xf32, #tpu.memory_space<hbm>>
      %dma_start3A_106 = arith.constant 0 : i32
      %dma_start3A_107 = tpu.memref_slice %arg6[%add3A_97, %dma_start3A_106] : memref<10240x128xf32, #tpu.memory_space<vmem_shared>> -> memref<128x128xf32, #tpu.memory_space<vmem_shared>>
      tpu.enqueue_dma source(%dma_start3A_107 : memref<128x128xf32, #tpu.memory_space<vmem_shared>>) target(%dma_start3A_105 : memref<128x128xf32, #tpu.memory_space<hbm>>) target_semaphore(%run_scoped3A_102 : memref<!tpu.dma_semaphore, #tpu.memory_space<semaphore_mem>>)
      %dma_wait3A = arith.constant 0 : i32
      %dma_wait3A_108 = tpu.memref_slice %arg5[%arg0, %add3A_97, %dma_wait3A] : memref<2x10240x128xf32, #tpu.memory_space<hbm>> -> memref<1x128x128xf32, #tpu.memory_space<hbm>>
      %dma_wait3A_109 = tpu.memref_squeeze %dma_wait3A_108 : memref<1x128x128xf32, #tpu.memory_space<hbm>> -> memref<128x128xf32, #tpu.memory_space<hbm>>
      %dma_wait3A_110 = arith.constant 0 : i32
      %dma_wait3A_111 = tpu.memref_slice %arg6[%add3A_97, %dma_wait3A_110] : memref<10240x128xf32, #tpu.memory_space<vmem_shared>> -> memref<128x128xf32, #tpu.memory_space<vmem_shared>>
      tpu.wait_dma2 semaphore(%run_scoped3A_102 : memref<!tpu.dma_semaphore, #tpu.memory_space<semaphore_mem>>) src(%dma_wait3A_111 : memref<128x128xf32, #tpu.memory_space<vmem_shared>>) dst(%dma_wait3A_109 : memref<128x128xf32, #tpu.memory_space<hbm>>)
      tpu.yield
    }) : () -> ()
    %mul3A_98 = arith.constant 640 : i32
    %mul3A_99 = arith.muli %arg1, %mul3A_98 : i32
    %add3A_100 = arith.constant 512 : i32
    %add3A_101 = arith.addi %mul3A_99, %add3A_100 : i32
    "tpu.region"() ({
      %run_scoped3A_102 = tpu.sem_alloc : memref<!tpu.dma_semaphore, #tpu.memory_space<semaphore_mem>>
      %dma_start3A_103 = arith.constant 0 : i32
      %dma_start3A_104 = tpu.memref_slice %arg5[%arg0, %add3A_101, %dma_start3A_103] : memref<2x10240x128xf32, #tpu.memory_space<hbm>> -> memref<1x128x128xf32, #tpu.memory_space<hbm>>
      %dma_start3A_105 = tpu.memref_squeeze %dma_start3A_104 : memref<1x128x128xf32, #tpu.memory_space<hbm>> -> memref<128x128xf32, #tpu.memory_space<hbm>>
      %dma_start3A_106 = arith.constant 0 : i32
      %dma_start3A_107 = tpu.memref_slice %arg6[%add3A_101, %dma_start3A_106] : memref<10240x128xf32, #tpu.memory_space<vmem_shared>> -> memref<128x128xf32, #tpu.memory_space<vmem_shared>>
      tpu.enqueue_dma source(%dma_start3A_107 : memref<128x128xf32, #tpu.memory_space<vmem_shared>>) target(%dma_start3A_105 : memref<128x128xf32, #tpu.memory_space<hbm>>) target_semaphore(%run_scoped3A_102 : memref<!tpu.dma_semaphore, #tpu.memory_space<semaphore_mem>>)
      %dma_wait3A = arith.constant 0 : i32
      %dma_wait3A_108 = tpu.memref_slice %arg5[%arg0, %add3A_101, %dma_wait3A] : memref<2x10240x128xf32, #tpu.memory_space<hbm>> -> memref<1x128x128xf32, #tpu.memory_space<hbm>>
      %dma_wait3A_109 = tpu.memref_squeeze %dma_wait3A_108 : memref<1x128x128xf32, #tpu.memory_space<hbm>> -> memref<128x128xf32, #tpu.memory_space<hbm>>
      %dma_wait3A_110 = arith.constant 0 : i32
      %dma_wait3A_111 = tpu.memref_slice %arg6[%add3A_101, %dma_wait3A_110] : memref<10240x128xf32, #tpu.memory_space<vmem_shared>> -> memref<128x128xf32, #tpu.memory_space<vmem_shared>>
      tpu.wait_dma2 semaphore(%run_scoped3A_102 : memref<!tpu.dma_semaphore, #tpu.memory_space<semaphore_mem>>) src(%dma_wait3A_111 : memref<128x128xf32, #tpu.memory_space<vmem_shared>>) dst(%dma_wait3A_109 : memref<128x128xf32, #tpu.memory_space<hbm>>)
      tpu.yield
    }) : () -> ()
    "tpu.trace_stop"() : () -> ()
    return
  }
}

#map = affine_map<(d0, d1) -> (0, 0)>
module attributes {stable_mosaic.version = 14 : i64} {
  func.func @_deg_body(%arg0: i32, %arg1: i32, %arg2: memref<2560x128xi32, #tpu.memory_space<hbm>>, %arg3: memref<2x10240xf32, #tpu.memory_space<hbm>>, %arg4: memref<10240xf32, #tpu.memory_space<vmem_shared>>, %arg5: memref<80x128xi32, #tpu.memory_space<vmem>>, %arg6: memref<128xf32, #tpu.memory_space<vmem>>, %arg7: memref<640xf32, #tpu.memory_space<vmem>>, %arg8: memref<!tpu.dma_semaphore, #tpu.memory_space<semaphore_mem>>, %arg9: memref<!tpu.dma_semaphore, #tpu.memory_space<semaphore_mem>>) attributes {dimension_semantics = [#tpu.dimension_semantics<core_parallel>, #tpu.dimension_semantics<subcore_parallel>], iteration_bounds = array<i64: 2, 16>, scalar_prefetch = 0 : i64, scratch_operands = 6 : i64, tpu.core_type = #tpu.core_type<sc_vector_subcore>, window_params = [{transform_indices = #map}, {transform_indices = #map}]} {
    %mul3A = arith.constant 16 : i32
    %mul3A_0 = arith.muli %arg0, %mul3A : i32
    %add3A = arith.addi %mul3A_0, %arg1 : i32
    %broadcast_in_dim3A = arith.constant 0.000000e+00 : f32
    %broadcast_in_dim3A_1 = vector.broadcast %broadcast_in_dim3A : f32 to vector<16xf32>
    %swap3A = arith.constant 0 : index
    %swap3A_2 = tpu.vector_load %arg7[%swap3A] {strides = array<i32>} : memref<640xf32, #tpu.memory_space<vmem>>, vector<16xf32>,
    %swap3A_3 = vector.shape_cast %swap3A_2 : vector<16xf32> to vector<16xf32>
    %swap3A_4 = vector.shape_cast %broadcast_in_dim3A_1 : vector<16xf32> to vector<16xf32>
    tpu.vector_store %arg7[%swap3A], %swap3A_4 {strides = array<i32>} : memref<640xf32, #tpu.memory_space<vmem>>, vector<16xf32>,
    %broadcast_in_dim3A_5 = arith.constant 0.000000e+00 : f32
    %broadcast_in_dim3A_6 = vector.broadcast %broadcast_in_dim3A_5 : f32 to vector<16xf32>
    %swap3A_7 = arith.constant 16 : index
    %swap3A_8 = tpu.vector_load %arg7[%swap3A_7] {strides = array<i32>} : memref<640xf32, #tpu.memory_space<vmem>>, vector<16xf32>,
    %swap3A_9 = vector.shape_cast %swap3A_8 : vector<16xf32> to vector<16xf32>
    %swap3A_10 = vector.shape_cast %broadcast_in_dim3A_6 : vector<16xf32> to vector<16xf32>
    tpu.vector_store %arg7[%swap3A_7], %swap3A_10 {strides = array<i32>} : memref<640xf32, #tpu.memory_space<vmem>>, vector<16xf32>,
    %broadcast_in_dim3A_11 = arith.constant 0.000000e+00 : f32
    %broadcast_in_dim3A_12 = vector.broadcast %broadcast_in_dim3A_11 : f32 to vector<16xf32>
    %swap3A_13 = arith.constant 32 : index
    %swap3A_14 = tpu.vector_load %arg7[%swap3A_13] {strides = array<i32>} : memref<640xf32, #tpu.memory_space<vmem>>, vector<16xf32>,
    %swap3A_15 = vector.shape_cast %swap3A_14 : vector<16xf32> to vector<16xf32>
    %swap3A_16 = vector.shape_cast %broadcast_in_dim3A_12 : vector<16xf32> to vector<16xf32>
    tpu.vector_store %arg7[%swap3A_13], %swap3A_16 {strides = array<i32>} : memref<640xf32, #tpu.memory_space<vmem>>, vector<16xf32>,
    %broadcast_in_dim3A_17 = arith.constant 0.000000e+00 : f32
    %broadcast_in_dim3A_18 = vector.broadcast %broadcast_in_dim3A_17 : f32 to vector<16xf32>
    %swap3A_19 = arith.constant 48 : index
    %swap3A_20 = tpu.vector_load %arg7[%swap3A_19] {strides = array<i32>} : memref<640xf32, #tpu.memory_space<vmem>>, vector<16xf32>,
    %swap3A_21 = vector.shape_cast %swap3A_20 : vector<16xf32> to vector<16xf32>
    %swap3A_22 = vector.shape_cast %broadcast_in_dim3A_18 : vector<16xf32> to vector<16xf32>
    tpu.vector_store %arg7[%swap3A_19], %swap3A_22 {strides = array<i32>} : memref<640xf32, #tpu.memory_space<vmem>>, vector<16xf32>,
    %broadcast_in_dim3A_23 = arith.constant 0.000000e+00 : f32
    %broadcast_in_dim3A_24 = vector.broadcast %broadcast_in_dim3A_23 : f32 to vector<16xf32>
    %swap3A_25 = arith.constant 64 : index
    %swap3A_26 = tpu.vector_load %arg7[%swap3A_25] {strides = array<i32>} : memref<640xf32, #tpu.memory_space<vmem>>, vector<16xf32>,
    %swap3A_27 = vector.shape_cast %swap3A_26 : vector<16xf32> to vector<16xf32>
    %swap3A_28 = vector.shape_cast %broadcast_in_dim3A_24 : vector<16xf32> to vector<16xf32>
    tpu.vector_store %arg7[%swap3A_25], %swap3A_28 {strides = array<i32>} : memref<640xf32, #tpu.memory_space<vmem>>, vector<16xf32>,
    %broadcast_in_dim3A_29 = arith.constant 0.000000e+00 : f32
    %broadcast_in_dim3A_30 = vector.broadcast %broadcast_in_dim3A_29 : f32 to vector<16xf32>
    %swap3A_31 = arith.constant 80 : index
    %swap3A_32 = tpu.vector_load %arg7[%swap3A_31] {strides = array<i32>} : memref<640xf32, #tpu.memory_space<vmem>>, vector<16xf32>,
    %swap3A_33 = vector.shape_cast %swap3A_32 : vector<16xf32> to vector<16xf32>
    %swap3A_34 = vector.shape_cast %broadcast_in_dim3A_30 : vector<16xf32> to vector<16xf32>
    tpu.vector_store %arg7[%swap3A_31], %swap3A_34 {strides = array<i32>} : memref<640xf32, #tpu.memory_space<vmem>>, vector<16xf32>,
    %broadcast_in_dim3A_35 = arith.constant 0.000000e+00 : f32
    %broadcast_in_dim3A_36 = vector.broadcast %broadcast_in_dim3A_35 : f32 to vector<16xf32>
    %swap3A_37 = arith.constant 96 : index
    %swap3A_38 = tpu.vector_load %arg7[%swap3A_37] {strides = array<i32>} : memref<640xf32, #tpu.memory_space<vmem>>, vector<16xf32>,
    %swap3A_39 = vector.shape_cast %swap3A_38 : vector<16xf32> to vector<16xf32>
    %swap3A_40 = vector.shape_cast %broadcast_in_dim3A_36 : vector<16xf32> to vector<16xf32>
    tpu.vector_store %arg7[%swap3A_37], %swap3A_40 {strides = array<i32>} : memref<640xf32, #tpu.memory_space<vmem>>, vector<16xf32>,
    %broadcast_in_dim3A_41 = arith.constant 0.000000e+00 : f32
    %broadcast_in_dim3A_42 = vector.broadcast %broadcast_in_dim3A_41 : f32 to vector<16xf32>
    %swap3A_43 = arith.constant 112 : index
    %swap3A_44 = tpu.vector_load %arg7[%swap3A_43] {strides = array<i32>} : memref<640xf32, #tpu.memory_space<vmem>>, vector<16xf32>,
    %swap3A_45 = vector.shape_cast %swap3A_44 : vector<16xf32> to vector<16xf32>
    %swap3A_46 = vector.shape_cast %broadcast_in_dim3A_42 : vector<16xf32> to vector<16xf32>
    tpu.vector_store %arg7[%swap3A_43], %swap3A_46 {strides = array<i32>} : memref<640xf32, #tpu.memory_space<vmem>>, vector<16xf32>,
    %broadcast_in_dim3A_47 = arith.constant 0.000000e+00 : f32
    %broadcast_in_dim3A_48 = vector.broadcast %broadcast_in_dim3A_47 : f32 to vector<16xf32>
    %swap3A_49 = arith.constant 128 : index
    %swap3A_50 = tpu.vector_load %arg7[%swap3A_49] {strides = array<i32>} : memref<640xf32, #tpu.memory_space<vmem>>, vector<16xf32>,
    %swap3A_51 = vector.shape_cast %swap3A_50 : vector<16xf32> to vector<16xf32>
    %swap3A_52 = vector.shape_cast %broadcast_in_dim3A_48 : vector<16xf32> to vector<16xf32>
    tpu.vector_store %arg7[%swap3A_49], %swap3A_52 {strides = array<i32>} : memref<640xf32, #tpu.memory_space<vmem>>, vector<16xf32>,
    %broadcast_in_dim3A_53 = arith.constant 0.000000e+00 : f32
    %broadcast_in_dim3A_54 = vector.broadcast %broadcast_in_dim3A_53 : f32 to vector<16xf32>
    %swap3A_55 = arith.constant 144 : index
    %swap3A_56 = tpu.vector_load %arg7[%swap3A_55] {strides = array<i32>} : memref<640xf32, #tpu.memory_space<vmem>>, vector<16xf32>,
    %swap3A_57 = vector.shape_cast %swap3A_56 : vector<16xf32> to vector<16xf32>
    %swap3A_58 = vector.shape_cast %broadcast_in_dim3A_54 : vector<16xf32> to vector<16xf32>
    tpu.vector_store %arg7[%swap3A_55], %swap3A_58 {strides = array<i32>} : memref<640xf32, #tpu.memory_space<vmem>>, vector<16xf32>,
    %broadcast_in_dim3A_59 = arith.constant 0.000000e+00 : f32
    %broadcast_in_dim3A_60 = vector.broadcast %broadcast_in_dim3A_59 : f32 to vector<16xf32>
    %swap3A_61 = arith.constant 160 : index
    %swap3A_62 = tpu.vector_load %arg7[%swap3A_61] {strides = array<i32>} : memref<640xf32, #tpu.memory_space<vmem>>, vector<16xf32>,
    %swap3A_63 = vector.shape_cast %swap3A_62 : vector<16xf32> to vector<16xf32>
    %swap3A_64 = vector.shape_cast %broadcast_in_dim3A_60 : vector<16xf32> to vector<16xf32>
    tpu.vector_store %arg7[%swap3A_61], %swap3A_64 {strides = array<i32>} : memref<640xf32, #tpu.memory_space<vmem>>, vector<16xf32>,
    %broadcast_in_dim3A_65 = arith.constant 0.000000e+00 : f32
    %broadcast_in_dim3A_66 = vector.broadcast %broadcast_in_dim3A_65 : f32 to vector<16xf32>
    %swap3A_67 = arith.constant 176 : index
    %swap3A_68 = tpu.vector_load %arg7[%swap3A_67] {strides = array<i32>} : memref<640xf32, #tpu.memory_space<vmem>>, vector<16xf32>,
    %swap3A_69 = vector.shape_cast %swap3A_68 : vector<16xf32> to vector<16xf32>
    %swap3A_70 = vector.shape_cast %broadcast_in_dim3A_66 : vector<16xf32> to vector<16xf32>
    tpu.vector_store %arg7[%swap3A_67], %swap3A_70 {strides = array<i32>} : memref<640xf32, #tpu.memory_space<vmem>>, vector<16xf32>,
    %broadcast_in_dim3A_71 = arith.constant 0.000000e+00 : f32
    %broadcast_in_dim3A_72 = vector.broadcast %broadcast_in_dim3A_71 : f32 to vector<16xf32>
    %swap3A_73 = arith.constant 192 : index
    %swap3A_74 = tpu.vector_load %arg7[%swap3A_73] {strides = array<i32>} : memref<640xf32, #tpu.memory_space<vmem>>, vector<16xf32>,
    %swap3A_75 = vector.shape_cast %swap3A_74 : vector<16xf32> to vector<16xf32>
    %swap3A_76 = vector.shape_cast %broadcast_in_dim3A_72 : vector<16xf32> to vector<16xf32>
    tpu.vector_store %arg7[%swap3A_73], %swap3A_76 {strides = array<i32>} : memref<640xf32, #tpu.memory_space<vmem>>, vector<16xf32>,
    %broadcast_in_dim3A_77 = arith.constant 0.000000e+00 : f32
    %broadcast_in_dim3A_78 = vector.broadcast %broadcast_in_dim3A_77 : f32 to vector<16xf32>
    %swap3A_79 = arith.constant 208 : index
    %swap3A_80 = tpu.vector_load %arg7[%swap3A_79] {strides = array<i32>} : memref<640xf32, #tpu.memory_space<vmem>>, vector<16xf32>,
    %swap3A_81 = vector.shape_cast %swap3A_80 : vector<16xf32> to vector<16xf32>
    %swap3A_82 = vector.shape_cast %broadcast_in_dim3A_78 : vector<16xf32> to vector<16xf32>
    tpu.vector_store %arg7[%swap3A_79], %swap3A_82 {strides = array<i32>} : memref<640xf32, #tpu.memory_space<vmem>>, vector<16xf32>,
    %broadcast_in_dim3A_83 = arith.constant 0.000000e+00 : f32
    %broadcast_in_dim3A_84 = vector.broadcast %broadcast_in_dim3A_83 : f32 to vector<16xf32>
    %swap3A_85 = arith.constant 224 : index
    %swap3A_86 = tpu.vector_load %arg7[%swap3A_85] {strides = array<i32>} : memref<640xf32, #tpu.memory_space<vmem>>, vector<16xf32>,
    %swap3A_87 = vector.shape_cast %swap3A_86 : vector<16xf32> to vector<16xf32>
    %swap3A_88 = vector.shape_cast %broadcast_in_dim3A_84 : vector<16xf32> to vector<16xf32>
    tpu.vector_store %arg7[%swap3A_85], %swap3A_88 {strides = array<i32>} : memref<640xf32, #tpu.memory_space<vmem>>, vector<16xf32>,
    %broadcast_in_dim3A_89 = arith.constant 0.000000e+00 : f32
    %broadcast_in_dim3A_90 = vector.broadcast %broadcast_in_dim3A_89 : f32 to vector<16xf32>
    %swap3A_91 = arith.constant 240 : index
    %swap3A_92 = tpu.vector_load %arg7[%swap3A_91] {strides = array<i32>} : memref<640xf32, #tpu.memory_space<vmem>>, vector<16xf32>,
    %swap3A_93 = vector.shape_cast %swap3A_92 : vector<16xf32> to vector<16xf32>
    %swap3A_94 = vector.shape_cast %broadcast_in_dim3A_90 : vector<16xf32> to vector<16xf32>
    tpu.vector_store %arg7[%swap3A_91], %swap3A_94 {strides = array<i32>} : memref<640xf32, #tpu.memory_space<vmem>>, vector<16xf32>,
    %broadcast_in_dim3A_95 = arith.constant 0.000000e+00 : f32
    %broadcast_in_dim3A_96 = vector.broadcast %broadcast_in_dim3A_95 : f32 to vector<16xf32>
    %swap3A_97 = arith.constant 256 : index
    %swap3A_98 = tpu.vector_load %arg7[%swap3A_97] {strides = array<i32>} : memref<640xf32, #tpu.memory_space<vmem>>, vector<16xf32>,
    %swap3A_99 = vector.shape_cast %swap3A_98 : vector<16xf32> to vector<16xf32>
    %swap3A_100 = vector.shape_cast %broadcast_in_dim3A_96 : vector<16xf32> to vector<16xf32>
    tpu.vector_store %arg7[%swap3A_97], %swap3A_100 {strides = array<i32>} : memref<640xf32, #tpu.memory_space<vmem>>, vector<16xf32>,
    %broadcast_in_dim3A_101 = arith.constant 0.000000e+00 : f32
    %broadcast_in_dim3A_102 = vector.broadcast %broadcast_in_dim3A_101 : f32 to vector<16xf32>
    %swap3A_103 = arith.constant 272 : index
    %swap3A_104 = tpu.vector_load %arg7[%swap3A_103] {strides = array<i32>} : memref<640xf32, #tpu.memory_space<vmem>>, vector<16xf32>,
    %swap3A_105 = vector.shape_cast %swap3A_104 : vector<16xf32> to vector<16xf32>
    %swap3A_106 = vector.shape_cast %broadcast_in_dim3A_102 : vector<16xf32> to vector<16xf32>
    tpu.vector_store %arg7[%swap3A_103], %swap3A_106 {strides = array<i32>} : memref<640xf32, #tpu.memory_space<vmem>>, vector<16xf32>,
    %broadcast_in_dim3A_107 = arith.constant 0.000000e+00 : f32
    %broadcast_in_dim3A_108 = vector.broadcast %broadcast_in_dim3A_107 : f32 to vector<16xf32>
    %swap3A_109 = arith.constant 288 : index
    %swap3A_110 = tpu.vector_load %arg7[%swap3A_109] {strides = array<i32>} : memref<640xf32, #tpu.memory_space<vmem>>, vector<16xf32>,
    %swap3A_111 = vector.shape_cast %swap3A_110 : vector<16xf32> to vector<16xf32>
    %swap3A_112 = vector.shape_cast %broadcast_in_dim3A_108 : vector<16xf32> to vector<16xf32>
    tpu.vector_store %arg7[%swap3A_109], %swap3A_112 {strides = array<i32>} : memref<640xf32, #tpu.memory_space<vmem>>, vector<16xf32>,
    %broadcast_in_dim3A_113 = arith.constant 0.000000e+00 : f32
    %broadcast_in_dim3A_114 = vector.broadcast %broadcast_in_dim3A_113 : f32 to vector<16xf32>
    %swap3A_115 = arith.constant 304 : index
    %swap3A_116 = tpu.vector_load %arg7[%swap3A_115] {strides = array<i32>} : memref<640xf32, #tpu.memory_space<vmem>>, vector<16xf32>,
    %swap3A_117 = vector.shape_cast %swap3A_116 : vector<16xf32> to vector<16xf32>
    %swap3A_118 = vector.shape_cast %broadcast_in_dim3A_114 : vector<16xf32> to vector<16xf32>
    tpu.vector_store %arg7[%swap3A_115], %swap3A_118 {strides = array<i32>} : memref<640xf32, #tpu.memory_space<vmem>>, vector<16xf32>,
    %broadcast_in_dim3A_119 = arith.constant 0.000000e+00 : f32
    %broadcast_in_dim3A_120 = vector.broadcast %broadcast_in_dim3A_119 : f32 to vector<16xf32>
    %swap3A_121 = arith.constant 320 : index
    %swap3A_122 = tpu.vector_load %arg7[%swap3A_121] {strides = array<i32>} : memref<640xf32, #tpu.memory_space<vmem>>, vector<16xf32>,
    %swap3A_123 = vector.shape_cast %swap3A_122 : vector<16xf32> to vector<16xf32>
    %swap3A_124 = vector.shape_cast %broadcast_in_dim3A_120 : vector<16xf32> to vector<16xf32>
    tpu.vector_store %arg7[%swap3A_121], %swap3A_124 {strides = array<i32>} : memref<640xf32, #tpu.memory_space<vmem>>, vector<16xf32>,
    %broadcast_in_dim3A_125 = arith.constant 0.000000e+00 : f32
    %broadcast_in_dim3A_126 = vector.broadcast %broadcast_in_dim3A_125 : f32 to vector<16xf32>
    %swap3A_127 = arith.constant 336 : index
    %swap3A_128 = tpu.vector_load %arg7[%swap3A_127] {strides = array<i32>} : memref<640xf32, #tpu.memory_space<vmem>>, vector<16xf32>,
    %swap3A_129 = vector.shape_cast %swap3A_128 : vector<16xf32> to vector<16xf32>
    %swap3A_130 = vector.shape_cast %broadcast_in_dim3A_126 : vector<16xf32> to vector<16xf32>
    tpu.vector_store %arg7[%swap3A_127], %swap3A_130 {strides = array<i32>} : memref<640xf32, #tpu.memory_space<vmem>>, vector<16xf32>,
    %broadcast_in_dim3A_131 = arith.constant 0.000000e+00 : f32
    %broadcast_in_dim3A_132 = vector.broadcast %broadcast_in_dim3A_131 : f32 to vector<16xf32>
    %swap3A_133 = arith.constant 352 : index
    %swap3A_134 = tpu.vector_load %arg7[%swap3A_133] {strides = array<i32>} : memref<640xf32, #tpu.memory_space<vmem>>, vector<16xf32>,
    %swap3A_135 = vector.shape_cast %swap3A_134 : vector<16xf32> to vector<16xf32>
    %swap3A_136 = vector.shape_cast %broadcast_in_dim3A_132 : vector<16xf32> to vector<16xf32>
    tpu.vector_store %arg7[%swap3A_133], %swap3A_136 {strides = array<i32>} : memref<640xf32, #tpu.memory_space<vmem>>, vector<16xf32>,
    %broadcast_in_dim3A_137 = arith.constant 0.000000e+00 : f32
    %broadcast_in_dim3A_138 = vector.broadcast %broadcast_in_dim3A_137 : f32 to vector<16xf32>
    %swap3A_139 = arith.constant 368 : index
    %swap3A_140 = tpu.vector_load %arg7[%swap3A_139] {strides = array<i32>} : memref<640xf32, #tpu.memory_space<vmem>>, vector<16xf32>,
    %swap3A_141 = vector.shape_cast %swap3A_140 : vector<16xf32> to vector<16xf32>
    %swap3A_142 = vector.shape_cast %broadcast_in_dim3A_138 : vector<16xf32> to vector<16xf32>
    tpu.vector_store %arg7[%swap3A_139], %swap3A_142 {strides = array<i32>} : memref<640xf32, #tpu.memory_space<vmem>>, vector<16xf32>,
    %broadcast_in_dim3A_143 = arith.constant 0.000000e+00 : f32
    %broadcast_in_dim3A_144 = vector.broadcast %broadcast_in_dim3A_143 : f32 to vector<16xf32>
    %swap3A_145 = arith.constant 384 : index
    %swap3A_146 = tpu.vector_load %arg7[%swap3A_145] {strides = array<i32>} : memref<640xf32, #tpu.memory_space<vmem>>, vector<16xf32>,
    %swap3A_147 = vector.shape_cast %swap3A_146 : vector<16xf32> to vector<16xf32>
    %swap3A_148 = vector.shape_cast %broadcast_in_dim3A_144 : vector<16xf32> to vector<16xf32>
    tpu.vector_store %arg7[%swap3A_145], %swap3A_148 {strides = array<i32>} : memref<640xf32, #tpu.memory_space<vmem>>, vector<16xf32>,
    %broadcast_in_dim3A_149 = arith.constant 0.000000e+00 : f32
    %broadcast_in_dim3A_150 = vector.broadcast %broadcast_in_dim3A_149 : f32 to vector<16xf32>
    %swap3A_151 = arith.constant 400 : index
    %swap3A_152 = tpu.vector_load %arg7[%swap3A_151] {strides = array<i32>} : memref<640xf32, #tpu.memory_space<vmem>>, vector<16xf32>,
    %swap3A_153 = vector.shape_cast %swap3A_152 : vector<16xf32> to vector<16xf32>
    %swap3A_154 = vector.shape_cast %broadcast_in_dim3A_150 : vector<16xf32> to vector<16xf32>
    tpu.vector_store %arg7[%swap3A_151], %swap3A_154 {strides = array<i32>} : memref<640xf32, #tpu.memory_space<vmem>>, vector<16xf32>,
    %broadcast_in_dim3A_155 = arith.constant 0.000000e+00 : f32
    %broadcast_in_dim3A_156 = vector.broadcast %broadcast_in_dim3A_155 : f32 to vector<16xf32>
    %swap3A_157 = arith.constant 416 : index
    %swap3A_158 = tpu.vector_load %arg7[%swap3A_157] {strides = array<i32>} : memref<640xf32, #tpu.memory_space<vmem>>, vector<16xf32>,
    %swap3A_159 = vector.shape_cast %swap3A_158 : vector<16xf32> to vector<16xf32>
    %swap3A_160 = vector.shape_cast %broadcast_in_dim3A_156 : vector<16xf32> to vector<16xf32>
    tpu.vector_store %arg7[%swap3A_157], %swap3A_160 {strides = array<i32>} : memref<640xf32, #tpu.memory_space<vmem>>, vector<16xf32>,
    %broadcast_in_dim3A_161 = arith.constant 0.000000e+00 : f32
    %broadcast_in_dim3A_162 = vector.broadcast %broadcast_in_dim3A_161 : f32 to vector<16xf32>
    %swap3A_163 = arith.constant 432 : index
    %swap3A_164 = tpu.vector_load %arg7[%swap3A_163] {strides = array<i32>} : memref<640xf32, #tpu.memory_space<vmem>>, vector<16xf32>,
    %swap3A_165 = vector.shape_cast %swap3A_164 : vector<16xf32> to vector<16xf32>
    %swap3A_166 = vector.shape_cast %broadcast_in_dim3A_162 : vector<16xf32> to vector<16xf32>
    tpu.vector_store %arg7[%swap3A_163], %swap3A_166 {strides = array<i32>} : memref<640xf32, #tpu.memory_space<vmem>>, vector<16xf32>,
    %broadcast_in_dim3A_167 = arith.constant 0.000000e+00 : f32
    %broadcast_in_dim3A_168 = vector.broadcast %broadcast_in_dim3A_167 : f32 to vector<16xf32>
    %swap3A_169 = arith.constant 448 : index
    %swap3A_170 = tpu.vector_load %arg7[%swap3A_169] {strides = array<i32>} : memref<640xf32, #tpu.memory_space<vmem>>, vector<16xf32>,
    %swap3A_171 = vector.shape_cast %swap3A_170 : vector<16xf32> to vector<16xf32>
    %swap3A_172 = vector.shape_cast %broadcast_in_dim3A_168 : vector<16xf32> to vector<16xf32>
    tpu.vector_store %arg7[%swap3A_169], %swap3A_172 {strides = array<i32>} : memref<640xf32, #tpu.memory_space<vmem>>, vector<16xf32>,
    %broadcast_in_dim3A_173 = arith.constant 0.000000e+00 : f32
    %broadcast_in_dim3A_174 = vector.broadcast %broadcast_in_dim3A_173 : f32 to vector<16xf32>
    %swap3A_175 = arith.constant 464 : index
    %swap3A_176 = tpu.vector_load %arg7[%swap3A_175] {strides = array<i32>} : memref<640xf32, #tpu.memory_space<vmem>>, vector<16xf32>,
    %swap3A_177 = vector.shape_cast %swap3A_176 : vector<16xf32> to vector<16xf32>
    %swap3A_178 = vector.shape_cast %broadcast_in_dim3A_174 : vector<16xf32> to vector<16xf32>
    tpu.vector_store %arg7[%swap3A_175], %swap3A_178 {strides = array<i32>} : memref<640xf32, #tpu.memory_space<vmem>>, vector<16xf32>,
    %broadcast_in_dim3A_179 = arith.constant 0.000000e+00 : f32
    %broadcast_in_dim3A_180 = vector.broadcast %broadcast_in_dim3A_179 : f32 to vector<16xf32>
    %swap3A_181 = arith.constant 480 : index
    %swap3A_182 = tpu.vector_load %arg7[%swap3A_181] {strides = array<i32>} : memref<640xf32, #tpu.memory_space<vmem>>, vector<16xf32>,
    %swap3A_183 = vector.shape_cast %swap3A_182 : vector<16xf32> to vector<16xf32>
    %swap3A_184 = vector.shape_cast %broadcast_in_dim3A_180 : vector<16xf32> to vector<16xf32>
    tpu.vector_store %arg7[%swap3A_181], %swap3A_184 {strides = array<i32>} : memref<640xf32, #tpu.memory_space<vmem>>, vector<16xf32>,
    %broadcast_in_dim3A_185 = arith.constant 0.000000e+00 : f32
    %broadcast_in_dim3A_186 = vector.broadcast %broadcast_in_dim3A_185 : f32 to vector<16xf32>
    %swap3A_187 = arith.constant 496 : index
    %swap3A_188 = tpu.vector_load %arg7[%swap3A_187] {strides = array<i32>} : memref<640xf32, #tpu.memory_space<vmem>>, vector<16xf32>,
    %swap3A_189 = vector.shape_cast %swap3A_188 : vector<16xf32> to vector<16xf32>
    %swap3A_190 = vector.shape_cast %broadcast_in_dim3A_186 : vector<16xf32> to vector<16xf32>
    tpu.vector_store %arg7[%swap3A_187], %swap3A_190 {strides = array<i32>} : memref<640xf32, #tpu.memory_space<vmem>>, vector<16xf32>,
    %broadcast_in_dim3A_191 = arith.constant 0.000000e+00 : f32
    %broadcast_in_dim3A_192 = vector.broadcast %broadcast_in_dim3A_191 : f32 to vector<16xf32>
    %swap3A_193 = arith.constant 512 : index
    %swap3A_194 = tpu.vector_load %arg7[%swap3A_193] {strides = array<i32>} : memref<640xf32, #tpu.memory_space<vmem>>, vector<16xf32>,
    %swap3A_195 = vector.shape_cast %swap3A_194 : vector<16xf32> to vector<16xf32>
    %swap3A_196 = vector.shape_cast %broadcast_in_dim3A_192 : vector<16xf32> to vector<16xf32>
    tpu.vector_store %arg7[%swap3A_193], %swap3A_196 {strides = array<i32>} : memref<640xf32, #tpu.memory_space<vmem>>, vector<16xf32>,
    %broadcast_in_dim3A_197 = arith.constant 0.000000e+00 : f32
    %broadcast_in_dim3A_198 = vector.broadcast %broadcast_in_dim3A_197 : f32 to vector<16xf32>
    %swap3A_199 = arith.constant 528 : index
    %swap3A_200 = tpu.vector_load %arg7[%swap3A_199] {strides = array<i32>} : memref<640xf32, #tpu.memory_space<vmem>>, vector<16xf32>,
    %swap3A_201 = vector.shape_cast %swap3A_200 : vector<16xf32> to vector<16xf32>
    %swap3A_202 = vector.shape_cast %broadcast_in_dim3A_198 : vector<16xf32> to vector<16xf32>
    tpu.vector_store %arg7[%swap3A_199], %swap3A_202 {strides = array<i32>} : memref<640xf32, #tpu.memory_space<vmem>>, vector<16xf32>,
    %broadcast_in_dim3A_203 = arith.constant 0.000000e+00 : f32
    %broadcast_in_dim3A_204 = vector.broadcast %broadcast_in_dim3A_203 : f32 to vector<16xf32>
    %swap3A_205 = arith.constant 544 : index
    %swap3A_206 = tpu.vector_load %arg7[%swap3A_205] {strides = array<i32>} : memref<640xf32, #tpu.memory_space<vmem>>, vector<16xf32>,
    %swap3A_207 = vector.shape_cast %swap3A_206 : vector<16xf32> to vector<16xf32>
    %swap3A_208 = vector.shape_cast %broadcast_in_dim3A_204 : vector<16xf32> to vector<16xf32>
    tpu.vector_store %arg7[%swap3A_205], %swap3A_208 {strides = array<i32>} : memref<640xf32, #tpu.memory_space<vmem>>, vector<16xf32>,
    %broadcast_in_dim3A_209 = arith.constant 0.000000e+00 : f32
    %broadcast_in_dim3A_210 = vector.broadcast %broadcast_in_dim3A_209 : f32 to vector<16xf32>
    %swap3A_211 = arith.constant 560 : index
    %swap3A_212 = tpu.vector_load %arg7[%swap3A_211] {strides = array<i32>} : memref<640xf32, #tpu.memory_space<vmem>>, vector<16xf32>,
    %swap3A_213 = vector.shape_cast %swap3A_212 : vector<16xf32> to vector<16xf32>
    %swap3A_214 = vector.shape_cast %broadcast_in_dim3A_210 : vector<16xf32> to vector<16xf32>
    tpu.vector_store %arg7[%swap3A_211], %swap3A_214 {strides = array<i32>} : memref<640xf32, #tpu.memory_space<vmem>>, vector<16xf32>,
    %broadcast_in_dim3A_215 = arith.constant 0.000000e+00 : f32
    %broadcast_in_dim3A_216 = vector.broadcast %broadcast_in_dim3A_215 : f32 to vector<16xf32>
    %swap3A_217 = arith.constant 576 : index
    %swap3A_218 = tpu.vector_load %arg7[%swap3A_217] {strides = array<i32>} : memref<640xf32, #tpu.memory_space<vmem>>, vector<16xf32>,
    %swap3A_219 = vector.shape_cast %swap3A_218 : vector<16xf32> to vector<16xf32>
    %swap3A_220 = vector.shape_cast %broadcast_in_dim3A_216 : vector<16xf32> to vector<16xf32>
    tpu.vector_store %arg7[%swap3A_217], %swap3A_220 {strides = array<i32>} : memref<640xf32, #tpu.memory_space<vmem>>, vector<16xf32>,
    %broadcast_in_dim3A_221 = arith.constant 0.000000e+00 : f32
    %broadcast_in_dim3A_222 = vector.broadcast %broadcast_in_dim3A_221 : f32 to vector<16xf32>
    %swap3A_223 = arith.constant 592 : index
    %swap3A_224 = tpu.vector_load %arg7[%swap3A_223] {strides = array<i32>} : memref<640xf32, #tpu.memory_space<vmem>>, vector<16xf32>,
    %swap3A_225 = vector.shape_cast %swap3A_224 : vector<16xf32> to vector<16xf32>
    %swap3A_226 = vector.shape_cast %broadcast_in_dim3A_222 : vector<16xf32> to vector<16xf32>
    tpu.vector_store %arg7[%swap3A_223], %swap3A_226 {strides = array<i32>} : memref<640xf32, #tpu.memory_space<vmem>>, vector<16xf32>,
    %broadcast_in_dim3A_227 = arith.constant 0.000000e+00 : f32
    %broadcast_in_dim3A_228 = vector.broadcast %broadcast_in_dim3A_227 : f32 to vector<16xf32>
    %swap3A_229 = arith.constant 608 : index
    %swap3A_230 = tpu.vector_load %arg7[%swap3A_229] {strides = array<i32>} : memref<640xf32, #tpu.memory_space<vmem>>, vector<16xf32>,
    %swap3A_231 = vector.shape_cast %swap3A_230 : vector<16xf32> to vector<16xf32>
    %swap3A_232 = vector.shape_cast %broadcast_in_dim3A_228 : vector<16xf32> to vector<16xf32>
    tpu.vector_store %arg7[%swap3A_229], %swap3A_232 {strides = array<i32>} : memref<640xf32, #tpu.memory_space<vmem>>, vector<16xf32>,
    %broadcast_in_dim3A_233 = arith.constant 0.000000e+00 : f32
    %broadcast_in_dim3A_234 = vector.broadcast %broadcast_in_dim3A_233 : f32 to vector<16xf32>
    %swap3A_235 = arith.constant 624 : index
    %swap3A_236 = tpu.vector_load %arg7[%swap3A_235] {strides = array<i32>} : memref<640xf32, #tpu.memory_space<vmem>>, vector<16xf32>,
    %swap3A_237 = vector.shape_cast %swap3A_236 : vector<16xf32> to vector<16xf32>
    %swap3A_238 = vector.shape_cast %broadcast_in_dim3A_234 : vector<16xf32> to vector<16xf32>
    tpu.vector_store %arg7[%swap3A_235], %swap3A_238 {strides = array<i32>} : memref<640xf32, #tpu.memory_space<vmem>>, vector<16xf32>,
    %broadcast_in_dim3A_239 = arith.constant 1.000000e+00 : f32
    %broadcast_in_dim3A_240 = vector.broadcast %broadcast_in_dim3A_239 : f32 to vector<16xf32>
    %swap3A_241 = arith.constant 0 : index
    %swap3A_242 = tpu.vector_load %arg6[%swap3A_241] {strides = array<i32>} : memref<128xf32, #tpu.memory_space<vmem>>, vector<16xf32>,
    %swap3A_243 = vector.shape_cast %swap3A_242 : vector<16xf32> to vector<16xf32>
    %swap3A_244 = vector.shape_cast %broadcast_in_dim3A_240 : vector<16xf32> to vector<16xf32>
    tpu.vector_store %arg6[%swap3A_241], %swap3A_244 {strides = array<i32>} : memref<128xf32, #tpu.memory_space<vmem>>, vector<16xf32>,
    %broadcast_in_dim3A_245 = arith.constant 1.000000e+00 : f32
    %broadcast_in_dim3A_246 = vector.broadcast %broadcast_in_dim3A_245 : f32 to vector<16xf32>
    %swap3A_247 = arith.constant 16 : index
    %swap3A_248 = tpu.vector_load %arg6[%swap3A_247] {strides = array<i32>} : memref<128xf32, #tpu.memory_space<vmem>>, vector<16xf32>,
    %swap3A_249 = vector.shape_cast %swap3A_248 : vector<16xf32> to vector<16xf32>
    %swap3A_250 = vector.shape_cast %broadcast_in_dim3A_246 : vector<16xf32> to vector<16xf32>
    tpu.vector_store %arg6[%swap3A_247], %swap3A_250 {strides = array<i32>} : memref<128xf32, #tpu.memory_space<vmem>>, vector<16xf32>,
    %broadcast_in_dim3A_251 = arith.constant 1.000000e+00 : f32
    %broadcast_in_dim3A_252 = vector.broadcast %broadcast_in_dim3A_251 : f32 to vector<16xf32>
    %swap3A_253 = arith.constant 32 : index
    %swap3A_254 = tpu.vector_load %arg6[%swap3A_253] {strides = array<i32>} : memref<128xf32, #tpu.memory_space<vmem>>, vector<16xf32>,
    %swap3A_255 = vector.shape_cast %swap3A_254 : vector<16xf32> to vector<16xf32>
    %swap3A_256 = vector.shape_cast %broadcast_in_dim3A_252 : vector<16xf32> to vector<16xf32>
    tpu.vector_store %arg6[%swap3A_253], %swap3A_256 {strides = array<i32>} : memref<128xf32, #tpu.memory_space<vmem>>, vector<16xf32>,
    %broadcast_in_dim3A_257 = arith.constant 1.000000e+00 : f32
    %broadcast_in_dim3A_258 = vector.broadcast %broadcast_in_dim3A_257 : f32 to vector<16xf32>
    %swap3A_259 = arith.constant 48 : index
    %swap3A_260 = tpu.vector_load %arg6[%swap3A_259] {strides = array<i32>} : memref<128xf32, #tpu.memory_space<vmem>>, vector<16xf32>,
    %swap3A_261 = vector.shape_cast %swap3A_260 : vector<16xf32> to vector<16xf32>
    %swap3A_262 = vector.shape_cast %broadcast_in_dim3A_258 : vector<16xf32> to vector<16xf32>
    tpu.vector_store %arg6[%swap3A_259], %swap3A_262 {strides = array<i32>} : memref<128xf32, #tpu.memory_space<vmem>>, vector<16xf32>,
    %broadcast_in_dim3A_263 = arith.constant 1.000000e+00 : f32
    %broadcast_in_dim3A_264 = vector.broadcast %broadcast_in_dim3A_263 : f32 to vector<16xf32>
    %swap3A_265 = arith.constant 64 : index
    %swap3A_266 = tpu.vector_load %arg6[%swap3A_265] {strides = array<i32>} : memref<128xf32, #tpu.memory_space<vmem>>, vector<16xf32>,
    %swap3A_267 = vector.shape_cast %swap3A_266 : vector<16xf32> to vector<16xf32>
    %swap3A_268 = vector.shape_cast %broadcast_in_dim3A_264 : vector<16xf32> to vector<16xf32>
    tpu.vector_store %arg6[%swap3A_265], %swap3A_268 {strides = array<i32>} : memref<128xf32, #tpu.memory_space<vmem>>, vector<16xf32>,
    %broadcast_in_dim3A_269 = arith.constant 1.000000e+00 : f32
    %broadcast_in_dim3A_270 = vector.broadcast %broadcast_in_dim3A_269 : f32 to vector<16xf32>
    %swap3A_271 = arith.constant 80 : index
    %swap3A_272 = tpu.vector_load %arg6[%swap3A_271] {strides = array<i32>} : memref<128xf32, #tpu.memory_space<vmem>>, vector<16xf32>,
    %swap3A_273 = vector.shape_cast %swap3A_272 : vector<16xf32> to vector<16xf32>
    %swap3A_274 = vector.shape_cast %broadcast_in_dim3A_270 : vector<16xf32> to vector<16xf32>
    tpu.vector_store %arg6[%swap3A_271], %swap3A_274 {strides = array<i32>} : memref<128xf32, #tpu.memory_space<vmem>>, vector<16xf32>,
    %broadcast_in_dim3A_275 = arith.constant 1.000000e+00 : f32
    %broadcast_in_dim3A_276 = vector.broadcast %broadcast_in_dim3A_275 : f32 to vector<16xf32>
    %swap3A_277 = arith.constant 96 : index
    %swap3A_278 = tpu.vector_load %arg6[%swap3A_277] {strides = array<i32>} : memref<128xf32, #tpu.memory_space<vmem>>, vector<16xf32>,
    %swap3A_279 = vector.shape_cast %swap3A_278 : vector<16xf32> to vector<16xf32>
    %swap3A_280 = vector.shape_cast %broadcast_in_dim3A_276 : vector<16xf32> to vector<16xf32>
    tpu.vector_store %arg6[%swap3A_277], %swap3A_280 {strides = array<i32>} : memref<128xf32, #tpu.memory_space<vmem>>, vector<16xf32>,
    %broadcast_in_dim3A_281 = arith.constant 1.000000e+00 : f32
    %broadcast_in_dim3A_282 = vector.broadcast %broadcast_in_dim3A_281 : f32 to vector<16xf32>
    %swap3A_283 = arith.constant 112 : index
    %swap3A_284 = tpu.vector_load %arg6[%swap3A_283] {strides = array<i32>} : memref<128xf32, #tpu.memory_space<vmem>>, vector<16xf32>,
    %swap3A_285 = vector.shape_cast %swap3A_284 : vector<16xf32> to vector<16xf32>
    %swap3A_286 = vector.shape_cast %broadcast_in_dim3A_282 : vector<16xf32> to vector<16xf32>
    tpu.vector_store %arg6[%swap3A_283], %swap3A_286 {strides = array<i32>} : memref<128xf32, #tpu.memory_space<vmem>>, vector<16xf32>,
    %mul3A_287 = arith.constant 640 : i32
    %mul3A_288 = arith.muli %arg1, %mul3A_287 : i32
    "tpu.region"() ({
      %run_scoped3A = tpu.sem_alloc : memref<!tpu.dma_semaphore, #tpu.memory_space<semaphore_mem>>
      %dma_start3A = tpu.memref_slice %arg4[%mul3A_288] : memref<10240xf32, #tpu.memory_space<vmem_shared>> -> memref<640xf32, #tpu.memory_space<vmem_shared>>
      %dma_start3A_301 = tpu.memref_slice %arg4[%mul3A_288] : memref<10240xf32, #tpu.memory_space<vmem_shared>> -> memref<640xf32, #tpu.memory_space<vmem_shared>>
      tpu.enqueue_dma source(%arg7 : memref<640xf32, #tpu.memory_space<vmem>>) target(%dma_start3A_301 : memref<640xf32, #tpu.memory_space<vmem_shared>>) target_semaphore(%run_scoped3A : memref<!tpu.dma_semaphore, #tpu.memory_space<semaphore_mem>>)
      %dma_wait3A = tpu.memref_slice %arg4[%mul3A_288] : memref<10240xf32, #tpu.memory_space<vmem_shared>> -> memref<640xf32, #tpu.memory_space<vmem_shared>>
      %dma_wait3A_302 = tpu.memref_slice %arg4[%mul3A_288] : memref<10240xf32, #tpu.memory_space<vmem_shared>> -> memref<640xf32, #tpu.memory_space<vmem_shared>>
      tpu.wait_dma2 semaphore(%run_scoped3A : memref<!tpu.dma_semaphore, #tpu.memory_space<semaphore_mem>>) src(%arg7 : memref<640xf32, #tpu.memory_space<vmem>>) dst(%dma_wait3A_302 : memref<640xf32, #tpu.memory_space<vmem_shared>>)
      tpu.yield
    }) : () -> ()
    %mul3A_289 = arith.constant 80 : i32
    %mul3A_290 = arith.muli %add3A, %mul3A_289 : i32
    "tpu.region"() ({
      %run_scoped3A = tpu.sem_alloc : memref<!tpu.dma_semaphore, #tpu.memory_space<semaphore_mem>>
      %dma_start3A = arith.constant 0 : i32
      %dma_start3A_301 = tpu.memref_slice %arg2[%mul3A_290, %dma_start3A] : memref<2560x128xi32, #tpu.memory_space<hbm>> -> memref<80x128xi32, #tpu.memory_space<hbm>>
      %dma_start3A_302 = arith.constant 0 : i32
      %dma_start3A_303 = tpu.memref_slice %arg2[%mul3A_290, %dma_start3A_302] : memref<2560x128xi32, #tpu.memory_space<hbm>> -> memref<80x128xi32, #tpu.memory_space<hbm>>
      tpu.enqueue_dma source(%dma_start3A_303 : memref<80x128xi32, #tpu.memory_space<hbm>>) target(%arg5 : memref<80x128xi32, #tpu.memory_space<vmem>>) target_semaphore(%run_scoped3A : memref<!tpu.dma_semaphore, #tpu.memory_space<semaphore_mem>>)
      %dma_wait3A = arith.constant 0 : i32
      %dma_wait3A_304 = tpu.memref_slice %arg2[%mul3A_290, %dma_wait3A] : memref<2560x128xi32, #tpu.memory_space<hbm>> -> memref<80x128xi32, #tpu.memory_space<hbm>>
      %dma_wait3A_305 = arith.constant 0 : i32
      %dma_wait3A_306 = tpu.memref_slice %arg2[%mul3A_290, %dma_wait3A_305] : memref<2560x128xi32, #tpu.memory_space<hbm>> -> memref<80x128xi32, #tpu.memory_space<hbm>>
      tpu.wait_dma2 semaphore(%run_scoped3A : memref<!tpu.dma_semaphore, #tpu.memory_space<semaphore_mem>>) src(%dma_wait3A_306 : memref<80x128xi32, #tpu.memory_space<hbm>>) dst(%arg5 : memref<80x128xi32, #tpu.memory_space<vmem>>)
      tpu.yield
    }) : () -> ()
    %barrier3A = arith.constant 0 : index
    tpu.barrier barrier_id(%barrier3A)
    %scan3A = arith.constant 0 : i32
    %scan3A_291 = arith.constant 0 : i32
    %scan3A_292 = arith.constant 10 : i32
    %scan3A_293 = arith.addi %scan3A_291, %scan3A_292 : i32
    %scan3A_294 = arith.constant 1 : i32
    scf.for %scan3A_301 = %scan3A_291 to %scan3A_293 step %scan3A_294  : i32 {
      %mul3A_302 = arith.constant 8 : i32
      %mul3A_303 = arith.muli %scan3A_301, %mul3A_302 : i32
      %add3A_304 = arith.constant 0 : i32
      %add3A_305 = arith.addi %mul3A_303, %add3A_304 : i32
      %dma_start3A = arith.constant 0 : i32
      %dma_start3A_306 = tpu.memref_slice %arg5[%add3A_305, %dma_start3A] : memref<80x128xi32, #tpu.memory_space<vmem>> -> memref<1x128xi32, #tpu.memory_space<vmem>>
      %dma_start3A_307 = tpu.memref_squeeze %dma_start3A_306 : memref<1x128xi32, #tpu.memory_space<vmem>> -> memref<128xi32, #tpu.memory_space<vmem>>
      %dma_start3A_308 = arith.constant 0 : i32
      %dma_start3A_309 = tpu.memref_slice %arg4[%dma_start3A_308] : memref<10240xf32, #tpu.memory_space<vmem_shared>> -> memref<10240xf32, #tpu.memory_space<vmem_shared>>
      tpu.enqueue_indirect_dma source(%arg6 : memref<128xf32, #tpu.memory_space<vmem>>) target(%dma_start3A_309 : memref<10240xf32, #tpu.memory_space<vmem_shared>>) offsets(%dma_start3A_307 : memref<128xi32, #tpu.memory_space<vmem>>) semaphore(%arg8 : memref<!tpu.dma_semaphore, #tpu.memory_space<semaphore_mem>>) {add = true}
      %add3A_310 = arith.constant 1 : i32
      %add3A_311 = arith.addi %mul3A_303, %add3A_310 : i32
      %dma_start3A_312 = arith.constant 0 : i32
      %dma_start3A_313 = tpu.memref_slice %arg5[%add3A_311, %dma_start3A_312] : memref<80x128xi32, #tpu.memory_space<vmem>> -> memref<1x128xi32, #tpu.memory_space<vmem>>
      %dma_start3A_314 = tpu.memref_squeeze %dma_start3A_313 : memref<1x128xi32, #tpu.memory_space<vmem>> -> memref<128xi32, #tpu.memory_space<vmem>>
      %dma_start3A_315 = arith.constant 0 : i32
      %dma_start3A_316 = tpu.memref_slice %arg4[%dma_start3A_315] : memref<10240xf32, #tpu.memory_space<vmem_shared>> -> memref<10240xf32, #tpu.memory_space<vmem_shared>>
      tpu.enqueue_indirect_dma source(%arg6 : memref<128xf32, #tpu.memory_space<vmem>>) target(%dma_start3A_316 : memref<10240xf32, #tpu.memory_space<vmem_shared>>) offsets(%dma_start3A_314 : memref<128xi32, #tpu.memory_space<vmem>>) semaphore(%arg9 : memref<!tpu.dma_semaphore, #tpu.memory_space<semaphore_mem>>) {add = true}
      %add3A_317 = arith.constant 2 : i32
      %add3A_318 = arith.addi %mul3A_303, %add3A_317 : i32
      %dma_start3A_319 = arith.constant 0 : i32
      %dma_start3A_320 = tpu.memref_slice %arg5[%add3A_318, %dma_start3A_319] : memref<80x128xi32, #tpu.memory_space<vmem>> -> memref<1x128xi32, #tpu.memory_space<vmem>>
      %dma_start3A_321 = tpu.memref_squeeze %dma_start3A_320 : memref<1x128xi32, #tpu.memory_space<vmem>> -> memref<128xi32, #tpu.memory_space<vmem>>
      %dma_start3A_322 = arith.constant 0 : i32
      %dma_start3A_323 = tpu.memref_slice %arg4[%dma_start3A_322] : memref<10240xf32, #tpu.memory_space<vmem_shared>> -> memref<10240xf32, #tpu.memory_space<vmem_shared>>
      tpu.enqueue_indirect_dma source(%arg6 : memref<128xf32, #tpu.memory_space<vmem>>) target(%dma_start3A_323 : memref<10240xf32, #tpu.memory_space<vmem_shared>>) offsets(%dma_start3A_321 : memref<128xi32, #tpu.memory_space<vmem>>) semaphore(%arg8 : memref<!tpu.dma_semaphore, #tpu.memory_space<semaphore_mem>>) {add = true}
      %add3A_324 = arith.constant 3 : i32
      %add3A_325 = arith.addi %mul3A_303, %add3A_324 : i32
      %dma_start3A_326 = arith.constant 0 : i32
      %dma_start3A_327 = tpu.memref_slice %arg5[%add3A_325, %dma_start3A_326] : memref<80x128xi32, #tpu.memory_space<vmem>> -> memref<1x128xi32, #tpu.memory_space<vmem>>
      %dma_start3A_328 = tpu.memref_squeeze %dma_start3A_327 : memref<1x128xi32, #tpu.memory_space<vmem>> -> memref<128xi32, #tpu.memory_space<vmem>>
      %dma_start3A_329 = arith.constant 0 : i32
      %dma_start3A_330 = tpu.memref_slice %arg4[%dma_start3A_329] : memref<10240xf32, #tpu.memory_space<vmem_shared>> -> memref<10240xf32, #tpu.memory_space<vmem_shared>>
      tpu.enqueue_indirect_dma source(%arg6 : memref<128xf32, #tpu.memory_space<vmem>>) target(%dma_start3A_330 : memref<10240xf32, #tpu.memory_space<vmem_shared>>) offsets(%dma_start3A_328 : memref<128xi32, #tpu.memory_space<vmem>>) semaphore(%arg9 : memref<!tpu.dma_semaphore, #tpu.memory_space<semaphore_mem>>) {add = true}
      %add3A_331 = arith.constant 4 : i32
      %add3A_332 = arith.addi %mul3A_303, %add3A_331 : i32
      %dma_start3A_333 = arith.constant 0 : i32
      %dma_start3A_334 = tpu.memref_slice %arg5[%add3A_332, %dma_start3A_333] : memref<80x128xi32, #tpu.memory_space<vmem>> -> memref<1x128xi32, #tpu.memory_space<vmem>>
      %dma_start3A_335 = tpu.memref_squeeze %dma_start3A_334 : memref<1x128xi32, #tpu.memory_space<vmem>> -> memref<128xi32, #tpu.memory_space<vmem>>
      %dma_start3A_336 = arith.constant 0 : i32
      %dma_start3A_337 = tpu.memref_slice %arg4[%dma_start3A_336] : memref<10240xf32, #tpu.memory_space<vmem_shared>> -> memref<10240xf32, #tpu.memory_space<vmem_shared>>
      tpu.enqueue_indirect_dma source(%arg6 : memref<128xf32, #tpu.memory_space<vmem>>) target(%dma_start3A_337 : memref<10240xf32, #tpu.memory_space<vmem_shared>>) offsets(%dma_start3A_335 : memref<128xi32, #tpu.memory_space<vmem>>) semaphore(%arg8 : memref<!tpu.dma_semaphore, #tpu.memory_space<semaphore_mem>>) {add = true}
      %add3A_338 = arith.constant 5 : i32
      %add3A_339 = arith.addi %mul3A_303, %add3A_338 : i32
      %dma_start3A_340 = arith.constant 0 : i32
      %dma_start3A_341 = tpu.memref_slice %arg5[%add3A_339, %dma_start3A_340] : memref<80x128xi32, #tpu.memory_space<vmem>> -> memref<1x128xi32, #tpu.memory_space<vmem>>
      %dma_start3A_342 = tpu.memref_squeeze %dma_start3A_341 : memref<1x128xi32, #tpu.memory_space<vmem>> -> memref<128xi32, #tpu.memory_space<vmem>>
      %dma_start3A_343 = arith.constant 0 : i32
      %dma_start3A_344 = tpu.memref_slice %arg4[%dma_start3A_343] : memref<10240xf32, #tpu.memory_space<vmem_shared>> -> memref<10240xf32, #tpu.memory_space<vmem_shared>>
      tpu.enqueue_indirect_dma source(%arg6 : memref<128xf32, #tpu.memory_space<vmem>>) target(%dma_start3A_344 : memref<10240xf32, #tpu.memory_space<vmem_shared>>) offsets(%dma_start3A_342 : memref<128xi32, #tpu.memory_space<vmem>>) semaphore(%arg9 : memref<!tpu.dma_semaphore, #tpu.memory_space<semaphore_mem>>) {add = true}
      %add3A_345 = arith.constant 6 : i32
      %add3A_346 = arith.addi %mul3A_303, %add3A_345 : i32
      %dma_start3A_347 = arith.constant 0 : i32
      %dma_start3A_348 = tpu.memref_slice %arg5[%add3A_346, %dma_start3A_347] : memref<80x128xi32, #tpu.memory_space<vmem>> -> memref<1x128xi32, #tpu.memory_space<vmem>>
      %dma_start3A_349 = tpu.memref_squeeze %dma_start3A_348 : memref<1x128xi32, #tpu.memory_space<vmem>> -> memref<128xi32, #tpu.memory_space<vmem>>
      %dma_start3A_350 = arith.constant 0 : i32
      %dma_start3A_351 = tpu.memref_slice %arg4[%dma_start3A_350] : memref<10240xf32, #tpu.memory_space<vmem_shared>> -> memref<10240xf32, #tpu.memory_space<vmem_shared>>
      tpu.enqueue_indirect_dma source(%arg6 : memref<128xf32, #tpu.memory_space<vmem>>) target(%dma_start3A_351 : memref<10240xf32, #tpu.memory_space<vmem_shared>>) offsets(%dma_start3A_349 : memref<128xi32, #tpu.memory_space<vmem>>) semaphore(%arg8 : memref<!tpu.dma_semaphore, #tpu.memory_space<semaphore_mem>>) {add = true}
      %add3A_352 = arith.constant 7 : i32
      %add3A_353 = arith.addi %mul3A_303, %add3A_352 : i32
      %dma_start3A_354 = arith.constant 0 : i32
      %dma_start3A_355 = tpu.memref_slice %arg5[%add3A_353, %dma_start3A_354] : memref<80x128xi32, #tpu.memory_space<vmem>> -> memref<1x128xi32, #tpu.memory_space<vmem>>
      %dma_start3A_356 = tpu.memref_squeeze %dma_start3A_355 : memref<1x128xi32, #tpu.memory_space<vmem>> -> memref<128xi32, #tpu.memory_space<vmem>>
      %dma_start3A_357 = arith.constant 0 : i32
      %dma_start3A_358 = tpu.memref_slice %arg4[%dma_start3A_357] : memref<10240xf32, #tpu.memory_space<vmem_shared>> -> memref<10240xf32, #tpu.memory_space<vmem_shared>>
      tpu.enqueue_indirect_dma source(%arg6 : memref<128xf32, #tpu.memory_space<vmem>>) target(%dma_start3A_358 : memref<10240xf32, #tpu.memory_space<vmem_shared>>) offsets(%dma_start3A_356 : memref<128xi32, #tpu.memory_space<vmem>>) semaphore(%arg9 : memref<!tpu.dma_semaphore, #tpu.memory_space<semaphore_mem>>) {add = true}
      %add3A_359 = arith.constant 0 : i32
      %add3A_360 = arith.addi %mul3A_303, %add3A_359 : i32
      %dma_wait3A = arith.constant 0 : i32
      %dma_wait3A_361 = tpu.memref_slice %arg5[%add3A_360, %dma_wait3A] : memref<80x128xi32, #tpu.memory_space<vmem>> -> memref<1x128xi32, #tpu.memory_space<vmem>>
      %dma_wait3A_362 = tpu.memref_squeeze %dma_wait3A_361 : memref<1x128xi32, #tpu.memory_space<vmem>> -> memref<128xi32, #tpu.memory_space<vmem>>
      %dma_wait3A_363 = arith.constant 0 : i32
      %dma_wait3A_364 = tpu.memref_slice %arg4[%dma_wait3A_363] : memref<10240xf32, #tpu.memory_space<vmem_shared>> -> memref<10240xf32, #tpu.memory_space<vmem_shared>>
      tpu.wait_indirect_dma semaphore(%arg8 : memref<!tpu.dma_semaphore, #tpu.memory_space<semaphore_mem>>) src(%arg6 : memref<128xf32, #tpu.memory_space<vmem>>) dst(%dma_wait3A_364 : memref<10240xf32, #tpu.memory_space<vmem_shared>>)
      %add3A_365 = arith.constant 1 : i32
      %add3A_366 = arith.addi %mul3A_303, %add3A_365 : i32
      %dma_wait3A_367 = arith.constant 0 : i32
      %dma_wait3A_368 = tpu.memref_slice %arg5[%add3A_366, %dma_wait3A_367] : memref<80x128xi32, #tpu.memory_space<vmem>> -> memref<1x128xi32, #tpu.memory_space<vmem>>
      %dma_wait3A_369 = tpu.memref_squeeze %dma_wait3A_368 : memref<1x128xi32, #tpu.memory_space<vmem>> -> memref<128xi32, #tpu.memory_space<vmem>>
      %dma_wait3A_370 = arith.constant 0 : i32
      %dma_wait3A_371 = tpu.memref_slice %arg4[%dma_wait3A_370] : memref<10240xf32, #tpu.memory_space<vmem_shared>> -> memref<10240xf32, #tpu.memory_space<vmem_shared>>
      tpu.wait_indirect_dma semaphore(%arg9 : memref<!tpu.dma_semaphore, #tpu.memory_space<semaphore_mem>>) src(%arg6 : memref<128xf32, #tpu.memory_space<vmem>>) dst(%dma_wait3A_371 : memref<10240xf32, #tpu.memory_space<vmem_shared>>)
      %add3A_372 = arith.constant 2 : i32
      %add3A_373 = arith.addi %mul3A_303, %add3A_372 : i32
      %dma_wait3A_374 = arith.constant 0 : i32
      %dma_wait3A_375 = tpu.memref_slice %arg5[%add3A_373, %dma_wait3A_374] : memref<80x128xi32, #tpu.memory_space<vmem>> -> memref<1x128xi32, #tpu.memory_space<vmem>>
      %dma_wait3A_376 = tpu.memref_squeeze %dma_wait3A_375 : memref<1x128xi32, #tpu.memory_space<vmem>> -> memref<128xi32, #tpu.memory_space<vmem>>
      %dma_wait3A_377 = arith.constant 0 : i32
      %dma_wait3A_378 = tpu.memref_slice %arg4[%dma_wait3A_377] : memref<10240xf32, #tpu.memory_space<vmem_shared>> -> memref<10240xf32, #tpu.memory_space<vmem_shared>>
      tpu.wait_indirect_dma semaphore(%arg8 : memref<!tpu.dma_semaphore, #tpu.memory_space<semaphore_mem>>) src(%arg6 : memref<128xf32, #tpu.memory_space<vmem>>) dst(%dma_wait3A_378 : memref<10240xf32, #tpu.memory_space<vmem_shared>>)
      %add3A_379 = arith.constant 3 : i32
      %add3A_380 = arith.addi %mul3A_303, %add3A_379 : i32
      %dma_wait3A_381 = arith.constant 0 : i32
      %dma_wait3A_382 = tpu.memref_slice %arg5[%add3A_380, %dma_wait3A_381] : memref<80x128xi32, #tpu.memory_space<vmem>> -> memref<1x128xi32, #tpu.memory_space<vmem>>
      %dma_wait3A_383 = tpu.memref_squeeze %dma_wait3A_382 : memref<1x128xi32, #tpu.memory_space<vmem>> -> memref<128xi32, #tpu.memory_space<vmem>>
      %dma_wait3A_384 = arith.constant 0 : i32
      %dma_wait3A_385 = tpu.memref_slice %arg4[%dma_wait3A_384] : memref<10240xf32, #tpu.memory_space<vmem_shared>> -> memref<10240xf32, #tpu.memory_space<vmem_shared>>
      tpu.wait_indirect_dma semaphore(%arg9 : memref<!tpu.dma_semaphore, #tpu.memory_space<semaphore_mem>>) src(%arg6 : memref<128xf32, #tpu.memory_space<vmem>>) dst(%dma_wait3A_385 : memref<10240xf32, #tpu.memory_space<vmem_shared>>)
      %add3A_386 = arith.constant 4 : i32
      %add3A_387 = arith.addi %mul3A_303, %add3A_386 : i32
      %dma_wait3A_388 = arith.constant 0 : i32
      %dma_wait3A_389 = tpu.memref_slice %arg5[%add3A_387, %dma_wait3A_388] : memref<80x128xi32, #tpu.memory_space<vmem>> -> memref<1x128xi32, #tpu.memory_space<vmem>>
      %dma_wait3A_390 = tpu.memref_squeeze %dma_wait3A_389 : memref<1x128xi32, #tpu.memory_space<vmem>> -> memref<128xi32, #tpu.memory_space<vmem>>
      %dma_wait3A_391 = arith.constant 0 : i32
      %dma_wait3A_392 = tpu.memref_slice %arg4[%dma_wait3A_391] : memref<10240xf32, #tpu.memory_space<vmem_shared>> -> memref<10240xf32, #tpu.memory_space<vmem_shared>>
      tpu.wait_indirect_dma semaphore(%arg8 : memref<!tpu.dma_semaphore, #tpu.memory_space<semaphore_mem>>) src(%arg6 : memref<128xf32, #tpu.memory_space<vmem>>) dst(%dma_wait3A_392 : memref<10240xf32, #tpu.memory_space<vmem_shared>>)
      %add3A_393 = arith.constant 5 : i32
      %add3A_394 = arith.addi %mul3A_303, %add3A_393 : i32
      %dma_wait3A_395 = arith.constant 0 : i32
      %dma_wait3A_396 = tpu.memref_slice %arg5[%add3A_394, %dma_wait3A_395] : memref<80x128xi32, #tpu.memory_space<vmem>> -> memref<1x128xi32, #tpu.memory_space<vmem>>
      %dma_wait3A_397 = tpu.memref_squeeze %dma_wait3A_396 : memref<1x128xi32, #tpu.memory_space<vmem>> -> memref<128xi32, #tpu.memory_space<vmem>>
      %dma_wait3A_398 = arith.constant 0 : i32
      %dma_wait3A_399 = tpu.memref_slice %arg4[%dma_wait3A_398] : memref<10240xf32, #tpu.memory_space<vmem_shared>> -> memref<10240xf32, #tpu.memory_space<vmem_shared>>
      tpu.wait_indirect_dma semaphore(%arg9 : memref<!tpu.dma_semaphore, #tpu.memory_space<semaphore_mem>>) src(%arg6 : memref<128xf32, #tpu.memory_space<vmem>>) dst(%dma_wait3A_399 : memref<10240xf32, #tpu.memory_space<vmem_shared>>)
      %add3A_400 = arith.constant 6 : i32
      %add3A_401 = arith.addi %mul3A_303, %add3A_400 : i32
      %dma_wait3A_402 = arith.constant 0 : i32
      %dma_wait3A_403 = tpu.memref_slice %arg5[%add3A_401, %dma_wait3A_402] : memref<80x128xi32, #tpu.memory_space<vmem>> -> memref<1x128xi32, #tpu.memory_space<vmem>>
      %dma_wait3A_404 = tpu.memref_squeeze %dma_wait3A_403 : memref<1x128xi32, #tpu.memory_space<vmem>> -> memref<128xi32, #tpu.memory_space<vmem>>
      %dma_wait3A_405 = arith.constant 0 : i32
      %dma_wait3A_406 = tpu.memref_slice %arg4[%dma_wait3A_405] : memref<10240xf32, #tpu.memory_space<vmem_shared>> -> memref<10240xf32, #tpu.memory_space<vmem_shared>>
      tpu.wait_indirect_dma semaphore(%arg8 : memref<!tpu.dma_semaphore, #tpu.memory_space<semaphore_mem>>) src(%arg6 : memref<128xf32, #tpu.memory_space<vmem>>) dst(%dma_wait3A_406 : memref<10240xf32, #tpu.memory_space<vmem_shared>>)
      %add3A_407 = arith.constant 7 : i32
      %add3A_408 = arith.addi %mul3A_303, %add3A_407 : i32
      %dma_wait3A_409 = arith.constant 0 : i32
      %dma_wait3A_410 = tpu.memref_slice %arg5[%add3A_408, %dma_wait3A_409] : memref<80x128xi32, #tpu.memory_space<vmem>> -> memref<1x128xi32, #tpu.memory_space<vmem>>
      %dma_wait3A_411 = tpu.memref_squeeze %dma_wait3A_410 : memref<1x128xi32, #tpu.memory_space<vmem>> -> memref<128xi32, #tpu.memory_space<vmem>>
      %dma_wait3A_412 = arith.constant 0 : i32
      %dma_wait3A_413 = tpu.memref_slice %arg4[%dma_wait3A_412] : memref<10240xf32, #tpu.memory_space<vmem_shared>> -> memref<10240xf32, #tpu.memory_space<vmem_shared>>
      tpu.wait_indirect_dma semaphore(%arg9 : memref<!tpu.dma_semaphore, #tpu.memory_space<semaphore_mem>>) src(%arg6 : memref<128xf32, #tpu.memory_space<vmem>>) dst(%dma_wait3A_413 : memref<10240xf32, #tpu.memory_space<vmem_shared>>)
    }
    %scan3A_295 = arith.constant 10 : i32
    %barrier3A_296 = arith.constant 0 : index
    tpu.barrier barrier_id(%barrier3A_296)
    %mul3A_297 = arith.constant 640 : i32
    %mul3A_298 = arith.muli %arg1, %mul3A_297 : i32
    %mul3A_299 = arith.constant 640 : i32
    %mul3A_300 = arith.muli %arg1, %mul3A_299 : i32
    "tpu.region"() ({
      %run_scoped3A = tpu.sem_alloc : memref<!tpu.dma_semaphore, #tpu.memory_space<semaphore_mem>>
      %dma_start3A = tpu.memref_slice %arg3[%arg0, %mul3A_300] : memref<2x10240xf32, #tpu.memory_space<hbm>> -> memref<1x640xf32, #tpu.memory_space<hbm>>
      %dma_start3A_301 = tpu.memref_squeeze %dma_start3A : memref<1x640xf32, #tpu.memory_space<hbm>> -> memref<640xf32, #tpu.memory_space<hbm>>
      %dma_start3A_302 = tpu.memref_slice %arg4[%mul3A_298] : memref<10240xf32, #tpu.memory_space<vmem_shared>> -> memref<640xf32, #tpu.memory_space<vmem_shared>>
      tpu.enqueue_dma source(%dma_start3A_302 : memref<640xf32, #tpu.memory_space<vmem_shared>>) target(%dma_start3A_301 : memref<640xf32, #tpu.memory_space<hbm>>) target_semaphore(%run_scoped3A : memref<!tpu.dma_semaphore, #tpu.memory_space<semaphore_mem>>)
      %dma_wait3A = tpu.memref_slice %arg3[%arg0, %mul3A_300] : memref<2x10240xf32, #tpu.memory_space<hbm>> -> memref<1x640xf32, #tpu.memory_space<hbm>>
      %dma_wait3A_303 = tpu.memref_squeeze %dma_wait3A : memref<1x640xf32, #tpu.memory_space<hbm>> -> memref<640xf32, #tpu.memory_space<hbm>>
      %dma_wait3A_304 = tpu.memref_slice %arg4[%mul3A_298] : memref<10240xf32, #tpu.memory_space<vmem_shared>> -> memref<640xf32, #tpu.memory_space<vmem_shared>>
      tpu.wait_dma2 semaphore(%run_scoped3A : memref<!tpu.dma_semaphore, #tpu.memory_space<semaphore_mem>>) src(%dma_wait3A_304 : memref<640xf32, #tpu.memory_space<vmem_shared>>) dst(%dma_wait3A_303 : memref<640xf32, #tpu.memory_space<hbm>>)
      tpu.yield
    }) : () -> ()
    return
  }
}

module attributes {stable_mosaic.version = 14 : i64} {
  func.func @_scale_body(%arg0: i32, %arg1: memref<2048x128xf32, #tpu.memory_space<vmem>>, %arg2: memref<2x10240xf32, #tpu.memory_space<vmem>>, %arg3: memref<2048x128xf32, #tpu.memory_space<vmem>>, %arg4: memref<2048x1xf32, #tpu.memory_space<vmem>>) attributes {dimension_semantics = [#tpu.dimension_semantics<arbitrary>], iteration_bounds = array<i64: 5>, scalar_prefetch = 0 : i64, scratch_operands = 0 : i64, tpu.core_type = #tpu.core_type<tc>, window_params = [{transform_indices = @transform_0, window_bounds = array<i64: 2048, 128>}, {pipeline_mode = #tpu.pipeline_mode<synchronous>, transform_indices = @transform_1, window_bounds = array<i64: 2, 10240>}, {transform_indices = @transform_2, window_bounds = array<i64: 2048, 128>}, {transform_indices = @transform_3, window_bounds = array<i64: 2048, 1>}]} {
    %mul3A = arith.constant 2048 : i32
    %mul3A_0 = arith.muli %arg0, %mul3A : i32
    %get3A = arith.constant 0 : index
    %get3A_1 = arith.index_cast %mul3A_0 : i32 to index
    %get3A_2 = vector.load %arg2[%get3A, %get3A_1] : memref<2x10240xf32, #tpu.memory_space<vmem>>, vector<1x2048xf32>
    %get3A_3 = vector.shape_cast %get3A_2 : vector<1x2048xf32> to vector<2048xf32>
    %mul3A_4 = arith.constant 2048 : i32
    %mul3A_5 = arith.muli %arg0, %mul3A_4 : i32
    %get3A_6 = arith.constant 1 : index
    %get3A_7 = arith.index_cast %mul3A_5 : i32 to index
    %get3A_8 = vector.load %arg2[%get3A_6, %get3A_7] : memref<2x10240xf32, #tpu.memory_space<vmem>>, vector<1x2048xf32>
    %get3A_9 = vector.shape_cast %get3A_8 : vector<1x2048xf32> to vector<2048xf32>
    %add3A = arith.addf %get3A_3, %get3A_9 : vector<2048xf32>
    %add3A_10 = arith.constant 1.000000e+00 : f32
    %add3A_11 = vector.broadcast %add3A_10 : f32 to vector<2048xf32>
    %add3A_12 = arith.addf %add3A, %add3A_11 : vector<2048xf32>
    %rsqrt3A = math.rsqrt %add3A_12 : vector<2048xf32>
    %broadcast_in_dim3A = vector.shape_cast %rsqrt3A : vector<2048xf32> to vector<2048x1xf32>
    %get3A_13 = arith.constant 0 : index
    %get3A_14 = arith.constant 0 : index
    %get3A_15 = vector.load %arg1[%get3A_13, %get3A_14] : memref<2048x128xf32, #tpu.memory_space<vmem>>, vector<2048x128xf32>
    %mul3A_16 = vector.broadcast %broadcast_in_dim3A : vector<2048x1xf32> to vector<2048x128xf32>
    %mul3A_17 = arith.mulf %mul3A_16, %get3A_15 : vector<2048x128xf32>
    %swap3A = arith.constant 0 : index
    %swap3A_18 = arith.constant 0 : index
    %swap3A_19 = vector.load %arg3[%swap3A, %swap3A_18] : memref<2048x128xf32, #tpu.memory_space<vmem>>, vector<2048x128xf32>
    tpu.vector_store %arg3[%swap3A, %swap3A_18], %mul3A_17 {strides = array<i32>} : memref<2048x128xf32, #tpu.memory_space<vmem>>, vector<2048x128xf32>,
    %broadcast_in_dim3A_20 = vector.shape_cast %rsqrt3A : vector<2048xf32> to vector<2048x1xf32>
    %swap3A_21 = arith.constant 0 : index
    %swap3A_22 = arith.constant 0 : index
    %swap3A_23 = vector.load %arg4[%swap3A_21, %swap3A_22] : memref<2048x1xf32, #tpu.memory_space<vmem>>, vector<2048x1xf32>
    tpu.vector_store %arg4[%swap3A_21, %swap3A_22], %broadcast_in_dim3A_20 {strides = array<i32>} : memref<2048x1xf32, #tpu.memory_space<vmem>>, vector<2048x1xf32>,
    return
  }
  func.func @transform_0(%arg0: i32) -> (i32, i32) {
    %c0_i32 = arith.constant 0 : i32
    %c0_i32_0 = arith.constant 0 : i32
    return %arg0, %c0_i32 : i32, i32
  }
  func.func @transform_1(%arg0: i32) -> (i32, i32) {
    %c0_i32 = arith.constant 0 : i32
    %c0_i32_0 = arith.constant 0 : i32
    %c0_i32_1 = arith.constant 0 : i32
    return %c0_i32, %c0_i32_0 : i32, i32
  }
  func.func @transform_2(%arg0: i32) -> (i32, i32) {
    %c0_i32 = arith.constant 0 : i32
    %c0_i32_0 = arith.constant 0 : i32
    return %arg0, %c0_i32 : i32, i32
  }
  func.func @transform_3(%arg0: i32) -> (i32, i32) {
    %c0_i32 = arith.constant 0 : i32
    %c0_i32_0 = arith.constant 0 : i32
    return %arg0, %c0_i32 : i32, i32
  }
}

module attributes {stable_mosaic.version = 14 : i64} {
  func.func @_head_body(%arg0: i32, %arg1: memref<2x2000x128xf32, #tpu.memory_space<vmem>>, %arg2: memref<2000x128xf32, #tpu.memory_space<vmem>>, %arg3: memref<2000x1xf32, #tpu.memory_space<vmem>>, %arg4: memref<128x128xf32, #tpu.memory_space<vmem>>, %arg5: memref<1x128xf32, #tpu.memory_space<vmem>>, %arg6: memref<128x128xf32, #tpu.memory_space<vmem>>, %arg7: memref<1x128xf32, #tpu.memory_space<vmem>>, %arg8: memref<2000x128xf32, #tpu.memory_space<vmem>>, %arg9: memref<2000x128xf32, #tpu.memory_space<vmem>>, %arg10: memref<2000x128xf32, #tpu.memory_space<vmem>>) attributes {dimension_semantics = [#tpu.dimension_semantics<arbitrary>], iteration_bounds = array<i64: 5>, scalar_prefetch = 0 : i64, scratch_operands = 0 : i64, tpu.core_type = #tpu.core_type<tc>, window_params = [{transform_indices = @transform_0, window_bounds = array<i64: 2, 2000, 128>}, {transform_indices = @transform_1, window_bounds = array<i64: 2000, 128>}, {transform_indices = @transform_2, window_bounds = array<i64: 2000, 1>}, {pipeline_mode = #tpu.pipeline_mode<synchronous>, transform_indices = @transform_3, window_bounds = array<i64: 128, 128>}, {pipeline_mode = #tpu.pipeline_mode<synchronous>, transform_indices = @transform_4, window_bounds = array<i64: 1, 128>}, {pipeline_mode = #tpu.pipeline_mode<synchronous>, transform_indices = @transform_5, window_bounds = array<i64: 128, 128>}, {pipeline_mode = #tpu.pipeline_mode<synchronous>, transform_indices = @transform_6, window_bounds = array<i64: 1, 128>}, {transform_indices = @transform_7, window_bounds = array<i64: 2000, 128>}, {transform_indices = @transform_8, window_bounds = array<i64: 2000, 128>}, {transform_indices = @transform_9, window_bounds = array<i64: 2000, 128>}]} {
    %get3A = arith.constant 0 : index
    %get3A_0 = arith.constant 0 : index
    %get3A_1 = vector.load %arg3[%get3A, %get3A_0] : memref<2000x1xf32, #tpu.memory_space<vmem>>, vector<2000x1xf32>
    %get3A_2 = arith.constant 0 : index
    %get3A_3 = arith.constant 0 : index
    %get3A_4 = arith.constant 0 : index
    %get3A_5 = vector.load %arg1[%get3A_2, %get3A_3, %get3A_4] : memref<2x2000x128xf32, #tpu.memory_space<vmem>>, vector<1x2000x128xf32>
    %get3A_6 = vector.shape_cast %get3A_5 : vector<1x2000x128xf32> to vector<2000x128xf32>
    %get3A_7 = arith.constant 1 : index
    %get3A_8 = arith.constant 0 : index
    %get3A_9 = arith.constant 0 : index
    %get3A_10 = vector.load %arg1[%get3A_7, %get3A_8, %get3A_9] : memref<2x2000x128xf32, #tpu.memory_space<vmem>>, vector<1x2000x128xf32>
    %get3A_11 = vector.shape_cast %get3A_10 : vector<1x2000x128xf32> to vector<2000x128xf32>
    %add3A = arith.addf %get3A_6, %get3A_11 : vector<2000x128xf32>
    %get3A_12 = arith.constant 0 : index
    %get3A_13 = arith.constant 0 : index
    %get3A_14 = vector.load %arg2[%get3A_12, %get3A_13] : memref<2000x128xf32, #tpu.memory_space<vmem>>, vector<2000x128xf32>
    %add3A_15 = arith.addf %add3A, %get3A_14 : vector<2000x128xf32>
    %mul3A = vector.broadcast %get3A_1 : vector<2000x1xf32> to vector<2000x128xf32>
    %mul3A_16 = arith.mulf %mul3A, %add3A_15 : vector<2000x128xf32>
    %get3A_17 = arith.constant 0 : index
    %get3A_18 = arith.constant 0 : index
    %get3A_19 = vector.load %arg4[%get3A_17, %get3A_18] : memref<128x128xf32, #tpu.memory_space<vmem>>, vector<128x128xf32>
    %dot_general3A = arith.constant dense<0.000000e+00> : vector<2000x128xf32>
    %dot_general3A_20 = tpu.matmul %mul3A_16, %get3A_19, %dot_general3A {dimension_numbers = #tpu.dot_dimension_numbers<[1], [0], [0], [1], [0, 0, 1, 1], [], []>, transpose_lhs_hint = false} : vector<2000x128xf32>, vector<128x128xf32>, vector<2000x128xf32> -> vector<2000x128xf32>
    %get3A_21 = arith.constant 0 : index
    %get3A_22 = arith.constant 0 : index
    %get3A_23 = vector.load %arg5[%get3A_21, %get3A_22] : memref<1x128xf32, #tpu.memory_space<vmem>>, vector<1x128xf32>
    %add3A_24 = vector.broadcast %get3A_23 : vector<1x128xf32> to vector<2000x128xf32>
    %add3A_25 = arith.addf %dot_general3A_20, %add3A_24 : vector<2000x128xf32>
    %get3A_26 = arith.constant 0 : index
    %get3A_27 = arith.constant 0 : index
    %get3A_28 = vector.load %arg6[%get3A_26, %get3A_27] : memref<128x128xf32, #tpu.memory_space<vmem>>, vector<128x128xf32>
    %dot_general3A_29 = arith.constant dense<0.000000e+00> : vector<2000x128xf32>
    %dot_general3A_30 = tpu.matmul %mul3A_16, %get3A_28, %dot_general3A_29 {dimension_numbers = #tpu.dot_dimension_numbers<[1], [0], [0], [1], [0, 0, 1, 1], [], []>, transpose_lhs_hint = false} : vector<2000x128xf32>, vector<128x128xf32>, vector<2000x128xf32> -> vector<2000x128xf32>
    %get3A_31 = arith.constant 0 : index
    %get3A_32 = arith.constant 0 : index
    %get3A_33 = vector.load %arg7[%get3A_31, %get3A_32] : memref<1x128xf32, #tpu.memory_space<vmem>>, vector<1x128xf32>
    %add3A_34 = vector.broadcast %get3A_33 : vector<1x128xf32> to vector<2000x128xf32>
    %add3A_35 = arith.addf %dot_general3A_30, %add3A_34 : vector<2000x128xf32>
    %add3A_36 = arith.addf %add3A_25, %add3A_35 : vector<2000x128xf32>
    %reduce_max3A = arith.constant dense<0xFF800000> : vector<2000xf32>
    %reduce_max3A_37 = vector.multi_reduction <maximumf>, %add3A_36, %reduce_max3A [1] : vector<2000x128xf32> to vector<2000xf32>
    %broadcast_in_dim3A = vector.shape_cast %reduce_max3A_37 : vector<2000xf32> to vector<2000x1xf32>
    %sub3A = vector.broadcast %broadcast_in_dim3A : vector<2000x1xf32> to vector<2000x128xf32>
    %sub3A_38 = arith.subf %add3A_36, %sub3A : vector<2000x128xf32>
    %exp3A = math.exp %sub3A_38 : vector<2000x128xf32>
    %reduce_sum3A = arith.constant dense<0.000000e+00> : vector<2000xf32>
    %reduce_sum3A_39 = vector.multi_reduction <add>, %exp3A, %reduce_sum3A [1] : vector<2000x128xf32> to vector<2000xf32>
    %broadcast_in_dim3A_40 = vector.shape_cast %reduce_sum3A_39 : vector<2000xf32> to vector<2000x1xf32>
    %log3A = math.log %broadcast_in_dim3A_40 : vector<2000x1xf32>
    %sub3A_41 = vector.broadcast %log3A : vector<2000x1xf32> to vector<2000x128xf32>
    %sub3A_42 = arith.subf %sub3A_38, %sub3A_41 : vector<2000x128xf32>
    %swap3A = arith.constant 0 : index
    %swap3A_43 = arith.constant 0 : index
    %swap3A_44 = vector.load %arg8[%swap3A, %swap3A_43] : memref<2000x128xf32, #tpu.memory_space<vmem>>, vector<2000x128xf32>
    tpu.vector_store %arg8[%swap3A, %swap3A_43], %sub3A_42 {strides = array<i32>} : memref<2000x128xf32, #tpu.memory_space<vmem>>, vector<2000x128xf32>,
    %swap3A_45 = arith.constant 0 : index
    %swap3A_46 = arith.constant 0 : index
    %swap3A_47 = vector.load %arg9[%swap3A_45, %swap3A_46] : memref<2000x128xf32, #tpu.memory_space<vmem>>, vector<2000x128xf32>
    tpu.vector_store %arg9[%swap3A_45, %swap3A_46], %add3A_25 {strides = array<i32>} : memref<2000x128xf32, #tpu.memory_space<vmem>>, vector<2000x128xf32>,
    %swap3A_48 = arith.constant 0 : index
    %swap3A_49 = arith.constant 0 : index
    %swap3A_50 = vector.load %arg10[%swap3A_48, %swap3A_49] : memref<2000x128xf32, #tpu.memory_space<vmem>>, vector<2000x128xf32>
    tpu.vector_store %arg10[%swap3A_48, %swap3A_49], %add3A_35 {strides = array<i32>} : memref<2000x128xf32, #tpu.memory_space<vmem>>, vector<2000x128xf32>,
    return
  }
  func.func @transform_0(%arg0: i32) -> (i32, i32, i32) {
    %c0_i32 = arith.constant 0 : i32
    %c0_i32_0 = arith.constant 0 : i32
    %c0_i32_1 = arith.constant 0 : i32
    return %c0_i32, %arg0, %c0_i32_0 : i32, i32, i32
  }
  func.func @transform_1(%arg0: i32) -> (i32, i32) {
    %c0_i32 = arith.constant 0 : i32
    %c0_i32_0 = arith.constant 0 : i32
    return %arg0, %c0_i32 : i32, i32
  }
  func.func @transform_2(%arg0: i32) -> (i32, i32) {
    %c0_i32 = arith.constant 0 : i32
    %c0_i32_0 = arith.constant 0 : i32
    return %arg0, %c0_i32 : i32, i32
  }
  func.func @transform_3(%arg0: i32) -> (i32, i32) {
    %c0_i32 = arith.constant 0 : i32
    %c0_i32_0 = arith.constant 0 : i32
    %c0_i32_1 = arith.constant 0 : i32
    return %c0_i32, %c0_i32_0 : i32, i32
  }
  func.func @transform_4(%arg0: i32) -> (i32, i32) {
    %c0_i32 = arith.constant 0 : i32
    %c0_i32_0 = arith.constant 0 : i32
    %c0_i32_1 = arith.constant 0 : i32
    return %c0_i32, %c0_i32_0 : i32, i32
  }
  func.func @transform_5(%arg0: i32) -> (i32, i32) {
    %c0_i32 = arith.constant 0 : i32
    %c0_i32_0 = arith.constant 0 : i32
    %c0_i32_1 = arith.constant 0 : i32
    return %c0_i32, %c0_i32_0 : i32, i32
  }
  func.func @transform_6(%arg0: i32) -> (i32, i32) {
    %c0_i32 = arith.constant 0 : i32
    %c0_i32_0 = arith.constant 0 : i32
    %c0_i32_1 = arith.constant 0 : i32
    return %c0_i32, %c0_i32_0 : i32, i32
  }
  func.func @transform_7(%arg0: i32) -> (i32, i32) {
    %c0_i32 = arith.constant 0 : i32
    %c0_i32_0 = arith.constant 0 : i32
    return %arg0, %c0_i32 : i32, i32
  }
  func.func @transform_8(%arg0: i32) -> (i32, i32) {
    %c0_i32 = arith.constant 0 : i32
    %c0_i32_0 = arith.constant 0 : i32
    return %arg0, %c0_i32 : i32, i32
  }
  func.func @transform_9(%arg0: i32) -> (i32, i32) {
    %c0_i32 = arith.constant 0 : i32
    %c0_i32_0 = arith.constant 0 : i32
    return %arg0, %c0_i32 : i32, i32
  }
}

</mosaic_0001>

<sc_bundles>
// kernel: kernel.6.cloned.1.call-start
scs
__scs_entry_jumppad:
0x0: {  	(pc) =	sbr.rel $0x88, $3  }
0x1: {  	(tag) =	ssettag $0x0;
	lr =	simm.s32 $0x1  }
0x2: {  	[smem:$0x3F9B] =	sst lr;
	_ =	strace $0xD0000000  }
0x3: {  	_ = 	snop  }
0x4: {  	_ = 	snop  }
0x5: {  	_ = 	snop  }
0x6: {  	_ = 	snop  }
0x7: {  	_ = 	snop  }
__scs_overlays_trampoline_lowered:
0x8: {  	[smem:$0x3FAA] =	sst s0  }
0x9: {  	[smem:$0x3FAB] =	sst s1  }
0xa: {  	[smem:$0x3FAC] =	sst s2  }
0xb: {  	[smem:$0x3FAD] =	sst s3  }
0xc: {  	[smem:$0x3FAE] =	sst s4  }
0xd: {  	[smem:$0x3FAF] =	sst s5  }
0xe: {  	[smem:$0x3FB0] =	sst s6  }
0xf: {  	[smem:$0x3FB1] =	sst s7  }
0x10: {  	[smem:$0x3FB2] =	sst s8  }
0x11: {  	[smem:$0x3FB3] =	sst s9;
	s0 =	simm.s32 @!p0 $0x0  }
0x12: {  	s1 =	sld [smem:$0x3F99];
	s0 =	simm.s32 @p0 $0x1  }
0x13: {  	[smem:$0x3FB4] =	sst s0;
	s0 =	simm.s32 @!p1 $0x0  }
0x14: {  	s2 =	sld [smem:$0x3F98];
	s0 =	simm.s32 @p1 $0x1  }
0x15: {  	[smem:$0x3FB5] =	sst s0;
	s0 =	simm.s32 @!p2 $0x0  }
0x16: {  	s3 =	sld [smem:$0x3FDB];
	s0 =	simm.s32 @p2 $0x1  }
0x17: {  	s4 =	simm.s32 $0x1BF5;
	[smem:$0x3FB7] =	sst s0  }
0x18: {  	s0 =	sld [smem:$0x3F9A];
	_ =	swait.ge [sflag:s4], $0x0  }
0x19: {  	s7 =	sld [smem:$0x3F9B]  }
0x1a: {  	s8 =	sadd.s32 $0xFFFFE003, lr  }
0x1b: {  	s9 =	sadd.s32 $0xFFFFFEF7, lr;
	s5 =	simm.s32 $0xFFFFFFFF;
	p2 =	slt.u32 s8, $0xFFFFF086  }
0x1c: {  	p1 =	slt.u32 s9, $0xF7A;
	s5 =	simm.s32 @!p2 $0x0  }
0x1d: {  	s5 =	simm.s32 @p1 $0x1;
	p0 =	seq.s32 s7, s2  }
0x1e: {  	s7 =	smul.u32 @!p0 $0xF7A, s2;
	p2 =	seq.s32 @!p0 s5, $0x0  }
0x1f: {  	s9 =	smul.u32 $0xF7A, s1;
	s8 =	simm.s32 @!p0 $0x1BF5;
	p2 =	por !p2, p0  }
0x20: {  	[sflag:s8] =	ssyncset.s32 @!p0 $0xFFFFF086;
	s6 =	sadd.s32 @!p0 s3, s7;
	s7 =	simm.s32 @!p0 $0x108  }
0x21: {  	s3 =	sadd.s32 s3, s9;
	s6 =	sadd.s32 @!p0 $0x88, s6;
	s7 =	simm.s32 @p2 $0x1082  }
0x22: {  	[simem:s7], [sflag:s8] =	dma.local @!p0 [hbm:s6], $0xF7A  }
0x23: {  	s9 =	sor.u32 $0xD0000000, s2;
	s6 =	simm.s32 $0x108;
	_ =	swait.ge @!p0 [sflag:s8], $0x0  }
0x24: {  	s3 =	sadd.s32 $0x88, s3;
	s6 =	simm.s32 @!p1 $0x1082;
	[sflag:s4] =	ssyncset.s32 $0xFFFFF086  }
0x25: {  	[simem:s6], [sflag:s4] =	dma.local [hbm:s3], $0xF7A  }
0x26: {  	[smem:$0x3F9B] =	sst s1;
	(tag) =	ssettag s2;
	_ =	strace s9  }
0x27: {  	s1 =	sld [smem:$0x3FAB]  }
0x28: {  	s2 =	sld [smem:$0x3FAC]  }
0x29: {  	s4 =	sld [smem:$0x3FAE]  }
0x2a: {  	p0 =	seq.s32 s5, $0x0;
	s5 =	sld [smem:$0x3FAF]  }
0x2b: {  	s6 =	sld [smem:$0x3FB0]  }
0x2c: {  	s7 =	sld [smem:$0x3FB1]  }
0x2d: {  	s3 =	simm.s32 $0x108;
	s8 =	sld [smem:$0x3FB2]  }
0x2e: {  	s3 =	simm.s32 @!p0 $0x1082;
	s9 =	sld [smem:$0x3FB3]  }
0x2f: {  	lr =	sadd.s32 s0, s3;
	s0 =	sld [smem:$0x3FAA]  }
0x30: {  	s3 =	sld [smem:$0x3FAD]  }
0x31: {  	[smem:$0x3FB6] =	sst s10  }
0x32: {  	s10 =	sld [smem:$0x3FB4];
	_ =	sdelay $0x3  }
0x33: {  	p0 =	seq.s32 s10, $0x1;
	s10 =	sld [smem:$0x3FB6];
	_ =	sdelay $0x3  }
0x34: {  	[smem:$0x3FB6] =	sst s10  }
0x35: {  	s10 =	sld [smem:$0x3FB5];
	_ =	sdelay $0x3  }
0x36: {  	p1 =	seq.s32 s10, $0x1;
	s10 =	sld [smem:$0x3FB6];
	_ =	sdelay $0x3  }
0x37: {  	[smem:$0x3FB6] =	sst s10  }
0x38: {  	s10 =	sld [smem:$0x3FB7]  }
0x39: {  	_ = 	snop;
	(pc) =	sbr.ind lr, $3  }
0x3a: {  	_ = 	snop  }
0x3b: {  	_ = 	snop  }
0x3c: {  	p2 =	seq.s32 s10, $0x1;
	s10 =	sld [smem:$0x3FB6]  }
0x3d: {  	_ =	shalt  }
0x3e: {  	_ =	shalt  }
0x3f: {  	_ =	shalt  }
0x40: {  	_ =	shalt  }
0x41: {  	_ =	shalt  }
0x42: {  	_ =	shalt  }
0x43: {  	_ =	shalt  }
0x44: {  	_ =	shalt  }
0x45: {  	_ =	shalt  }
0x46: {  	_ =	shalt  }
0x47: {  	_ =	shalt  }
0x48: {  	_ =	shalt  }
0x49: {  	_ =	shalt  }
0x4a: {  	_ =	shalt  }
0x4b: {  	_ =	shalt  }
0x4c: {  	_ =	shalt  }
0x4d: {  	_ =	shalt  }
0x4e: {  	_ =	shalt  }
0x4f: {  	_ =	shalt  }
0x50: {  	_ =	shalt  }
0x51: {  	_ =	shalt  }
0x52: {  	_ =	shalt  }
0x53: {  	_ =	shalt  }
0x54: {  	_ =	shalt  }
0x55: {  	_ =	shalt  }
0x56: {  	_ =	shalt  }
0x57: {  	_ =	shalt  }
0x58: {  	_ =	shalt  }
0x59: {  	_ =	shalt  }
0x5a: {  	_ =	shalt  }
0x5b: {  	_ =	shalt  }
0x5c: {  	_ =	shalt  }
0x5d: {  	_ =	shalt  }
0x5e: {  	_ =	shalt  }
0x5f: {  	_ =	shalt  }
0x60: {  	_ =	shalt  }
0x61: {  	_ =	shalt  }
0x62: {  	_ =	shalt  }
0x63: {  	_ =	shalt  }
0x64: {  	_ =	shalt  }
0x65: {  	_ =	shalt  }
0x66: {  	_ =	shalt  }
0x67: {  	_ =	shalt  }
0x68: {  	_ =	shalt  }
0x69: {  	_ =	shalt  }
0x6a: {  	_ =	shalt  }
0x6b: {  	_ =	shalt  }
0x6c: {  	_ =	shalt  }
0x6d: {  	_ =	shalt  }
0x6e: {  	_ =	shalt  }
0x6f: {  	_ =	shalt  }
0x70: {  	_ =	shalt  }
0x71: {  	_ =	shalt  }
0x72: {  	_ =	shalt  }
0x73: {  	_ =	shalt  }
0x74: {  	_ =	shalt  }
0x75: {  	_ =	shalt  }
0x76: {  	_ =	shalt  }
0x77: {  	_ =	shalt  }
0x78: {  	_ =	shalt  }
0x79: {  	_ =	shalt  }
0x7a: {  	_ =	shalt  }
0x7b: {  	_ =	shalt  }
0x7c: {  	_ =	shalt  }
0x7d: {  	_ =	shalt  }
0x7e: {  	_ =	shalt  }
0x7f: {  	_ =	shalt  }
0x80: {  	_ =	shalt  }
0x81: {  	_ =	shalt  }
0x82: {  	_ =	shalt  }
0x83: {  	_ =	shalt  }
0x84: {  	_ =	shalt  }
0x85: {  	_ =	shalt  }
0x86: {  	_ =	shalt  }
0x87: {  	_ =	shalt  }
.Lfunc_end0:
.L_simem_size_0:
called_computation_lowered:
.L_overlay_start_0:
0x88: {  	s2 =	sld [smem:$0x3FD9]  }
0x89: {  	s3 =	sld [smem:$0x3FFE];
	_ =	sdelay $0x1  }
0x8a: {  	s1 =	srdreg.scid  }
0x8b: {  	s0 =	sand.u32 $0x1, s1  }
0x8c: {  	s15 =	sshll.u32 s0, $0xA;
	s2 =	sadd.s32 s3, s2  }
0x8d: {  	s2 =	sadd.s32 s2, s15  }
0x8e: {  	[smem:$0x3FC2] =	sst s2  }
0x8f: {  	_ = 	snop  }
0x90: {  	s2 =	sld [smem:$0x3FD0];
	_ =	sdelay $0x2  }
0x91: {  	s16 =	simm.s32 $0xA;
	s4 =	simm.s32 $0x10  }
0x92: {  	[smem:s4], [sflag:s16] =	dma.local [hbm:s2], $0x1  }
0x93: {  	_ =	swait.eq [sflag:s16], $0x1  }
0x94: {  	[sflag:s16] =	ssyncset.done $0x0  }
0x95: {  	s17 =	sld [smem:$0x10];
	[sflag:s16] =	ssyncadd.s32 $0xFFFFFFFF  }
0x96: {  	s18 =	sld [smem:$0x11];
	(tm) =	ssettm $0x1  }
0x97: {  	s19 =	sld [smem:$0x3FFB];
	_ =	sdelay $0x3  }
0x98: {  	_ =	strace s19  }
0x99: {  	s4 =	sld [smem:$0x3FFC];
	_ =	sdelay $0x3  }
0x9a: {  	_ =	strace s4  }
0x9b: {  	s4 =	sld [smem:$0x3FFD];
	_ =	sdelay $0x3  }
0x9c: {  	_ =	strace s4  }
0x9d: {  	_ =	strace $0x8FFFFFFF  }
0x9e: {  	s20 =	sld [smem:$0x3FDB];
	_ =	sdelay $0x1  }
0x9f: {  	s5 =	simm.s32 $_scs_section_size  }
0xa0: {  	s6 =	simm.s32 $_size__tile_overlayer_lowered;
	s7 =	simm.s32 $_tile_overlayer_lowered  }
0xa1: {  	s23 =	simm.s32 $0x1BFF;
	s22 =	sshll.u32 s7, $0x1;
	s4 =	sadd.s32 s5, s20  }
0xa2: {  	s8 =	simm.s32 $0x0;
	s21 =	sshll.u32 s6, $0x1;
	s6 =	sadd.s32 s22, s4  }
0xa3: {  	[timem:s8], [sflag:s23] =	dma.local [hbm:s6], s21  }
0xa4: {  	_ =	swait.ge [sflag:s23], s21  }
0xa5: {  	s5 =	ssub.s32 $0x0, s21;
	[sflag:s23] =	ssyncset.done $0x0  }
0xa6: {  	[sflag:s23] =	ssyncadd.s32 s5;
	_ =	sdelay $0x1  }
0xa7: {  	s24 =	simm.s32 $0x1B8B  }
0xa8: {  	_ =	swait.ge [sflag:s24], $0x1  }
0xa9: {  	[sflag:s24] =	ssyncset.done $0x0  }
0xaa: {  	s25 =	simm.s32 $0x1B8E;
	[sflag:s24] =	ssyncadd.s32 $0xFFFFFFFF  }
0xab: {  	s26 =	simm.s32 $execute0_lowered;
	[smem:$0x3FD2] =	sst s25  }
0xac: {  	s5 =	sshll.u32 s26, $0x1;
	_ =	strace $0x80000046;
	[dreg:$0x1] =	wrdreg $0xFFFFFFFF  }
0xad: {  	s28 =	simm.s32 $_size_execute0_lowered;
	s4 =	sadd.s32 s4, s5;
	[dreg:$0x0] =	wrdreg $0x0  }
0xae: {  	s5 =	sshll.u32 s28, $0x1;
	[dreg:$0x2] =	wrdreg s4  }
0xaf: {  	[dreg:$0x3] =	wrdreg s5  }
0xb0: {  	[dreg:$0x4] =	wrdreg $0xC0  }
0xb1: {  	_ =	task [dreg:s8], $0x5FFFF  }
0xb2: {  	[dreg:$0x1] =	wrdreg $0xFFFFFFFF  }
0xb3: {  	[dreg:$0x0] =	wrdreg $0x60  }
0xb4: {  	[dreg:$0x2] =	wrdreg s18  }
0xb5: {  	[dreg:$0x3] =	wrdreg s17  }
0xb6: {  	[dreg:$0x4] =	wrdreg $0x0  }
0xb7: {  	[dreg:$0x5] =	wrdreg $0x9  }
0xb8: {  	_ =	task.clear_ibuf [dreg:s8], $0x6FFFF;
	_ =	strace $0x90000046  }
0xb9: {  	s29 =	simm.s32 $0x9;
	_ =	strace $0x80000048  }
0xba: {  	_ =	swait.ge [sflag:s29], $0x1  }
0xbb: {  	[sflag:s29] =	ssyncadd.s32 $0xFFFFFFFF  }
0xbc: {  	_ =	strace $0x90000048  }
0xbd: {  	_ =	sfence  }
0xbe: {  	s30 =	sld [smem:$0x0];
	_ =	sdelay $0x2  }
0xbf: {  	s31 =	sshll.u32 s1, $0xD;
	s1 =	sshrl.u32 s1, $0x2  }
0xc0: {  	s3 =	sand.u32 $0x4000, s31;
	s1 =	sadd.s32 s1, s30  }
0xc1: {  	s0 =	sor.u32 s3, s0;
	s1 =	sshll.u32 s1, $0x11  }
0xc2: {  	s0 =	sor.u32 s1, s0  }
0xc3: {  	s0 =	sadd.s32 $0x8F2B, s0  }
0xc4: {  	[sflag:s0] =	ssyncadd.remote.s32 $0x1  }
0xc5: {  	_ =	sfence.sel $0xFFFF  }
0xc6: {  	[dreg:$0x0] =	wrdreg $0xFFFFFFFF;
	(pc) =	sbr.abs _section_cstart, $3  }
0xc7: {  	[dreg:$0x1] =	wrdreg $0xFFFFFFFF  }
0xc8: {  	_ =	task.clear_ibuf [dreg:s8], $0x2FFFF;
	_ =	strace $0x9FFFFFFF  }
0xc9: {  	(tm) =	ssettm $0x7FFFFFFF  }
tec
execute0_lowered:
.L_overlay_start_1:
0x0: {  	(tag) =	ssettag $0x1  }
0x1: {  	s5 =	rddreg [dreg:$0x0]  }
0x2: {  	s6 =	rddreg [dreg:$0x1]  }
0x3: {  	s1 =	rddreg [dreg:$0x2]  }
0x4: {  	s0 =	rddreg [dreg:$0x3];
	s3 =	simm.s32 $0x0;
	s4 =	srdreg.scid  }
0x5: {  	s2 =	stileid.u32;
	s12 =	simm.s32 $0x2A80;
	s13 =	simm.s32 $0x1  }
0x6: {  	s14 =	simm.s32 $0x2;
	s17 =	simm.s32 $0x20;
	s18 =	simm.s32 $0x10  }
0x7: {  	s19 =	simm.s32 $0x0;
	[smem:$0x7FF] =	sst s3;
	s7 =	smul.u32 $0xA00, s2  }
0x8: {  	s4 =	sand.u32 $0x1, s4;
	s10 =	smul.u32 $0x500, s2;
	s15 =	sshll.u32 s2, $0x6  }
0x9: {  	_ =	strace $0x80000047;
	s8 =	sshll.u32 s4, $0x4;
	s9 =	ssub.s32 $0x2, s4  }
0xa: {  	s4 =	sshll.u32 s4, $0x7;
	s15 =	sor.u32 $0x1C03, s15;
	s8 =	sor.u32 s2, s8  }
0xb: {  	s11 =	sshrl.u32 s9, $0x1;
	s7 =	sshrl.u32 s7, $0x2;
	s10 =	sor.u32 s4, s10  }
0xc: {  	s8 =	smul.u32 $0x500, s8;
	s9 =	ssub.s32 s9, s11;
	s4 =	sadd.s32 s7, s1  }
0xd: {  	s31 =	sshrl.u32 s10, $0x3;
	s10 =	simm.s32 $0x280;
	s11 =	simm.s32 $0x80  }
0xe: {  	s6 =	sadd.s32 s6, s31;
	s7 =	smax.u32 s9, $0x1;
	s9 =	simm.s32 $0x3  }
0xf: {  	v0 =	vimm.f32 $0.0e+00;
	v1 =	vimm.f32 $1.000000000e+00;
	s16 =	sshrl.u32 s4, $0x3;
	s5 =	sadd.s32 s5, s8;
	s8 =	simm.s32 $0x2B00  }
.LBB2_1:
0x10: {  	[tilespmem:$0x2B00] =	vst v0  }
0x11: {  	[tilespmem:$0x2B10] =	vst v0  }
0x12: {  	[tilespmem:$0x2B20] =	vst v0  }
0x13: {  	[tilespmem:$0x2B30] =	vst v0  }
0x14: {  	[tilespmem:$0x2B40] =	vst v0  }
0x15: {  	[tilespmem:$0x2B50] =	vst v0  }
0x16: {  	[tilespmem:$0x2B60] =	vst v0  }
0x17: {  	[tilespmem:$0x2B70] =	vst v0  }
0x18: {  	[tilespmem:$0x2B80] =	vst v0  }
0x19: {  	[tilespmem:$0x2B90] =	vst v0  }
0x1a: {  	[tilespmem:$0x2BA0] =	vst v0  }
0x1b: {  	[tilespmem:$0x2BB0] =	vst v0  }
0x1c: {  	[tilespmem:$0x2BC0] =	vst v0  }
0x1d: {  	[tilespmem:$0x2BD0] =	vst v0  }
0x1e: {  	[tilespmem:$0x2BE0] =	vst v0  }
0x1f: {  	[tilespmem:$0x2BF0] =	vst v0  }
0x20: {  	[tilespmem:$0x2C00] =	vst v0  }
0x21: {  	[tilespmem:$0x2C10] =	vst v0  }
0x22: {  	[tilespmem:$0x2C20] =	vst v0  }
0x23: {  	[tilespmem:$0x2C30] =	vst v0  }
0x24: {  	[tilespmem:$0x2C40] =	vst v0  }
0x25: {  	[tilespmem:$0x2C50] =	vst v0  }
0x26: {  	[tilespmem:$0x2C60] =	vst v0  }
0x27: {  	[tilespmem:$0x2C70] =	vst v0  }
0x28: {  	[tilespmem:$0x2C80] =	vst v0  }
0x29: {  	[tilespmem:$0x2C90] =	vst v0  }
0x2a: {  	[tilespmem:$0x2CA0] =	vst v0  }
0x2b: {  	[tilespmem:$0x2CB0] =	vst v0  }
0x2c: {  	[tilespmem:$0x2CC0] =	vst v0  }
0x2d: {  	[tilespmem:$0x2CD0] =	vst v0  }
0x2e: {  	[tilespmem:$0x2CE0] =	vst v0  }
0x2f: {  	[tilespmem:$0x2CF0] =	vst v0  }
0x30: {  	[tilespmem:$0x2D00] =	vst v0  }
0x31: {  	[tilespmem:$0x2D10] =	vst v0  }
0x32: {  	[tilespmem:$0x2D20] =	vst v0  }
0x33: {  	[tilespmem:$0x2D30] =	vst v0  }
0x34: {  	[tilespmem:$0x2D40] =	vst v0  }
0x35: {  	[tilespmem:$0x2D50] =	vst v0  }
0x36: {  	[tilespmem:$0x2D60] =	vst v0  }
0x37: {  	[tilespmem:$0x2D70] =	vst v0  }
0x38: {  	[tilespmem:$0x2A80] =	vst v1  }
0x39: {  	[tilespmem:$0x2A90] =	vst v1  }
0x3a: {  	[tilespmem:$0x2AA0] =	vst v1  }
0x3b: {  	[tilespmem:$0x2AB0] =	vst v1  }
0x3c: {  	[tilespmem:$0x2AC0] =	vst v1  }
0x3d: {  	[tilespmem:$0x2AD0] =	vst v1  }
0x3e: {  	[tilespmem:$0x2AE0] =	vst v1  }
0x3f: {  	[tilespmem:$0x2AF0] =	vst v1  }
0x40: {  	[spmem:s4] =	stream.linear.scatter [tilespmem:s8], [sflag:$0x3], $0x280, $0x38;
	[tilespmem:$0x2D80] =	vst v63  }
0x41: {  	_ =	swait.ge [sflag:s9], $0x280  }
0x42: {  	[sflag:s9] =	ssyncset.done $0x0  }
0x43: {  	[sflag:s9] =	ssyncadd.s32 $0xFFFFFD80  }
0x44: {  	[tilespmem:s10], [sflag:$0x3] =	stream.linear.gather [hbm4b:s5+s3], $0x2800, $0x38;
	[tilespmem:$0x2D80] =	vst v63  }
0x45: {  	_ =	swait.ge [sflag:s9], $0x2800  }
0x46: {  	[sflag:s9] =	ssyncset.done $0x0  }
0x47: {  	[sflag:s9] =	ssyncadd.s32 $0xFFFFD800  }
0x48: {  	s20 =	simm.s32 $0x280;
	[bflag:$0x0] =	sbarrier.arrive $0xFFFF  }
0x49: {  	[spmem:s1] =	stream.indirect.scatter.add.f32 [tilespmem:s12], [sflag:$0x1], $0x1, s20, s11, $0xb8;
	[tilespmem:$0x2D80] =	vst v63  }
0x4a: {  	s24 =	simm.s32 $0x300  }
0x4b: {  	[spmem:s1] =	stream.indirect.scatter.add.f32 [tilespmem:s12], [sflag:$0x2], $0x1, s24, s11, $0xb8;
	[tilespmem:$0x2D80] =	vst v63  }
0x4c: {  	s25 =	simm.s32 $0x380  }
0x4d: {  	[spmem:s1] =	stream.indirect.scatter.add.f32 [tilespmem:s12], [sflag:$0x1], $0x1, s25, s11, $0xb8;
	[tilespmem:$0x2D80] =	vst v63  }
0x4e: {  	s26 =	simm.s32 $0x400  }
0x4f: {  	[spmem:s1] =	stream.indirect.scatter.add.f32 [tilespmem:s12], [sflag:$0x2], $0x1, s26, s11, $0xb8;
	[tilespmem:$0x2D80] =	vst v63  }
0x50: {  	s28 =	simm.s32 $0x480  }
0x51: {  	[spmem:s1] =	stream.indirect.scatter.add.f32 [tilespmem:s12], [sflag:$0x1], $0x1, s28, s11, $0xb8;
	[tilespmem:$0x2D80] =	vst v63  }
0x52: {  	s29 =	simm.s32 $0x500  }
0x53: {  	[spmem:s1] =	stream.indirect.scatter.add.f32 [tilespmem:s12], [sflag:$0x2], $0x1, s29, s11, $0xb8;
	[tilespmem:$0x2D80] =	vst v63  }
0x54: {  	s30 =	simm.s32 $0x580  }
0x55: {  	[spmem:s1] =	stream.indirect.scatter.add.f32 [tilespmem:s12], [sflag:$0x1], $0x1, s30, s11, $0xb8;
	[tilespmem:$0x2D80] =	vst v63  }
0x56: {  	s31 =	simm.s32 $0x600  }
0x57: {  	[spmem:s1] =	stream.indirect.scatter.add.f32 [tilespmem:s12], [sflag:$0x2], $0x1, s31, s11, $0xb8;
	[tilespmem:$0x2D80] =	vst v63  }
0x58: {  	_ =	swait.ge [sflag:s13], $0x80  }
0x59: {  	[sflag:s13] =	ssyncset.done $0x0  }
0x5a: {  	[sflag:s13] =	ssyncadd.s32 $0xFFFFFF80  }
0x5b: {  	_ =	swait.ge [sflag:s14], $0x80  }
0x5c: {  	[sflag:s14] =	ssyncset.done $0x0  }
0x5d: {  	[sflag:s14] =	ssyncadd.s32 $0xFFFFFF80  }
0x5e: {  	_ =	swait.ge [sflag:s13], $0x80  }
0x5f: {  	[sflag:s13] =	ssyncset.done $0x0  }
0x60: {  	[sflag:s13] =	ssyncadd.s32 $0xFFFFFF80  }
0x61: {  	_ =	swait.ge [sflag:s14], $0x80  }
0x62: {  	[sflag:s14] =	ssyncset.done $0x0  }
0x63: {  	[sflag:s14] =	ssyncadd.s32 $0xFFFFFF80  }
0x64: {  	_ =	swait.ge [sflag:s13], $0x80  }
0x65: {  	[sflag:s13] =	ssyncset.done $0x0  }
0x66: {  	[sflag:s13] =	ssyncadd.s32 $0xFFFFFF80  }
0x67: {  	_ =	swait.ge [sflag:s14], $0x80  }
0x68: {  	[sflag:s14] =	ssyncset.done $0x0  }
0x69: {  	[sflag:s14] =	ssyncadd.s32 $0xFFFFFF80  }
0x6a: {  	_ =	swait.ge [sflag:s13], $0x80  }
0x6b: {  	[sflag:s13] =	ssyncset.done $0x0  }
0x6c: {  	[sflag:s13] =	ssyncadd.s32 $0xFFFFFF80  }
0x6d: {  	_ =	swait.ge [sflag:s14], $0x80  }
0x6e: {  	s23 =	simm.s32 $0x2000;
	s22 =	simm.s32 $0x400;
	[sflag:s14] =	ssyncset.done $0x0  }
.LBB2_2:
0x6f: {  	s24 =	sadd.s32 $0x280, s22  }
0x70: {  	[sflag:s14] =	ssyncadd.s32 $0xFFFFFF80;
	s21 =	smov.u32 s23;
	s20 =	sadd.s32 $0x1000, s23  }
0x71: {  	[spmem:s1] =	stream.indirect.scatter.add.f32 [tilespmem:s12], [sflag:$0x1], $0x1, s24, s11, $0xb8;
	[tilespmem:$0x2D80] =	vst v63  }
0x72: {  	p0 =	sne.s32 s23, $0x9000;
	s23 =	sadd.s32 $0x300, s22  }
0x73: {  	[spmem:s1] =	stream.indirect.scatter.add.f32 [tilespmem:s12], [sflag:$0x2], $0x1, s23, s11, $0xb8;
	[tilespmem:$0x2D80] =	vst v63  }
0x74: {  	s23 =	sadd.s32 $0x380, s22  }
0x75: {  	[spmem:s1] =	stream.indirect.scatter.add.f32 [tilespmem:s12], [sflag:$0x1], $0x1, s23, s11, $0xb8;
	[tilespmem:$0x2D80] =	vst v63  }
0x76: {  	s23 =	sadd.s32 $0x400, s22  }
0x77: {  	[spmem:s1] =	stream.indirect.scatter.add.f32 [tilespmem:s12], [sflag:$0x2], $0x1, s23, s11, $0xb8;
	[tilespmem:$0x2D80] =	vst v63  }
0x78: {  	s23 =	sadd.s32 $0x480, s22  }
0x79: {  	[spmem:s1] =	stream.indirect.scatter.add.f32 [tilespmem:s12], [sflag:$0x1], $0x1, s23, s11, $0xb8;
	[tilespmem:$0x2D80] =	vst v63  }
0x7a: {  	s23 =	sadd.s32 $0x500, s22  }
0x7b: {  	[spmem:s1] =	stream.indirect.scatter.add.f32 [tilespmem:s12], [sflag:$0x2], $0x1, s23, s11, $0xb8;
	[tilespmem:$0x2D80] =	vst v63  }
0x7c: {  	s23 =	sadd.s32 $0x580, s22  }
0x7d: {  	[spmem:s1] =	stream.indirect.scatter.add.f32 [tilespmem:s12], [sflag:$0x1], $0x1, s23, s11, $0xb8;
	[tilespmem:$0x2D80] =	vst v63  }
0x7e: {  	s22 =	sadd.s32 $0x600, s22  }
0x7f: {  	[spmem:s1] =	stream.indirect.scatter.add.f32 [tilespmem:s12], [sflag:$0x2], $0x1, s22, s11, $0xb8;
	[tilespmem:$0x2D80] =	vst v63  }
0x80: {  	_ =	swait.ge [sflag:s13], $0x80  }
0x81: {  	[sflag:s13] =	ssyncset.done $0x0  }
0x82: {  	[sflag:s13] =	ssyncadd.s32 $0xFFFFFF80  }
0x83: {  	_ =	swait.ge [sflag:s14], $0x80  }
0x84: {  	[sflag:s14] =	ssyncset.done $0x0  }
0x85: {  	[sflag:s14] =	ssyncadd.s32 $0xFFFFFF80  }
0x86: {  	_ =	swait.ge [sflag:s13], $0x80  }
0x87: {  	[sflag:s13] =	ssyncset.done $0x0  }
0x88: {  	[sflag:s13] =	ssyncadd.s32 $0xFFFFFF80  }
0x89: {  	_ =	swait.ge [sflag:s14], $0x80  }
0x8a: {  	[sflag:s14] =	ssyncset.done $0x0  }
0x8b: {  	[sflag:s14] =	ssyncadd.s32 $0xFFFFFF80  }
0x8c: {  	_ =	swait.ge [sflag:s13], $0x80  }
0x8d: {  	[sflag:s13] =	ssyncset.done $0x0  }
0x8e: {  	[sflag:s13] =	ssyncadd.s32 $0xFFFFFF80  }
0x8f: {  	_ =	swait.ge [sflag:s14], $0x80  }
0x90: {  	[sflag:s14] =	ssyncset.done $0x0  }
0x91: {  	[sflag:s14] =	ssyncadd.s32 $0xFFFFFF80  }
.Ltmp0:
0x92: {  	_ =	swait.ge [sflag:s13], $0x80;
	(pc) =	sbr.rel @p0 .LBB2_2-.Ltmp0, $4  }
0x93: {  	[sflag:s13] =	ssyncset.done $0x0  }
0x94: {  	[sflag:s13] =	ssyncadd.s32 $0xFFFFFF80  }
0x95: {  	_ =	swait.ge [sflag:s14], $0x80  }
0x96: {  	s23 =	smov.u32 s20;
	s22 =	sshra.s32 s21, $0x2;
	[sflag:s14] =	ssyncset.done $0x0  }
0x97: {  	s20 =	sadd.s32 $0x280, s22;
	[sflag:s14] =	ssyncadd.s32 $0xFFFFFF80  }
0x98: {  	[spmem:s1] =	stream.indirect.scatter.add.f32 [tilespmem:s12], [sflag:$0x1], $0x1, s20, s11, $0xb8;
	[tilespmem:$0x2D80] =	vst v63  }
0x99: {  	s24 =	sadd.s32 $0x300, s22  }
0x9a: {  	[spmem:s1] =	stream.indirect.scatter.add.f32 [tilespmem:s12], [sflag:$0x2], $0x1, s24, s11, $0xb8;
	[tilespmem:$0x2D80] =	vst v63  }
0x9b: {  	s25 =	sadd.s32 $0x380, s22  }
0x9c: {  	[spmem:s1] =	stream.indirect.scatter.add.f32 [tilespmem:s12], [sflag:$0x1], $0x1, s25, s11, $0xb8;
	[tilespmem:$0x2D80] =	vst v63  }
0x9d: {  	s26 =	sadd.s32 $0x400, s22  }
0x9e: {  	[spmem:s1] =	stream.indirect.scatter.add.f32 [tilespmem:s12], [sflag:$0x2], $0x1, s26, s11, $0xb8;
	[tilespmem:$0x2D80] =	vst v63  }
0x9f: {  	s28 =	sadd.s32 $0x480, s22  }
0xa0: {  	[spmem:s1] =	stream.indirect.scatter.add.f32 [tilespmem:s12], [sflag:$0x1], $0x1, s28, s11, $0xb8;
	[tilespmem:$0x2D80] =	vst v63  }
0xa1: {  	s29 =	sadd.s32 $0x500, s22  }
0xa2: {  	[spmem:s1] =	stream.indirect.scatter.add.f32 [tilespmem:s12], [sflag:$0x2], $0x1, s29, s11, $0xb8;
	[tilespmem:$0x2D80] =	vst v63  }
0xa3: {  	s30 =	sadd.s32 $0x580, s22  }
0xa4: {  	[spmem:s1] =	stream.indirect.scatter.add.f32 [tilespmem:s12], [sflag:$0x1], $0x1, s30, s11, $0xb8;
	[tilespmem:$0x2D80] =	vst v63  }
0xa5: {  	s31 =	sadd.s32 $0x600, s22  }
0xa6: {  	[spmem:s1] =	stream.indirect.scatter.add.f32 [tilespmem:s12], [sflag:$0x2], $0x1, s31, s11, $0xb8;
	[tilespmem:$0x2D80] =	vst v63  }
0xa7: {  	_ =	swait.ge [sflag:s13], $0x80  }
0xa8: {  	[sflag:s13] =	ssyncset.done $0x0  }
0xa9: {  	[sflag:s13] =	ssyncadd.s32 $0xFFFFFF80  }
0xaa: {  	_ =	swait.ge [sflag:s14], $0x80  }
0xab: {  	[sflag:s14] =	ssyncset.done $0x0  }
0xac: {  	[sflag:s14] =	ssyncadd.s32 $0xFFFFFF80  }
0xad: {  	_ =	swait.ge [sflag:s13], $0x80  }
0xae: {  	[sflag:s13] =	ssyncset.done $0x0  }
0xaf: {  	[sflag:s13] =	ssyncadd.s32 $0xFFFFFF80  }
0xb0: {  	_ =	swait.ge [sflag:s14], $0x80  }
0xb1: {  	[sflag:s14] =	ssyncset.done $0x0  }
0xb2: {  	[sflag:s14] =	ssyncadd.s32 $0xFFFFFF80  }
0xb3: {  	_ =	swait.ge [sflag:s13], $0x80  }
0xb4: {  	[sflag:s13] =	ssyncset.done $0x0  }
0xb5: {  	[sflag:s13] =	ssyncadd.s32 $0xFFFFFF80  }
0xb6: {  	_ =	swait.ge [sflag:s14], $0x80  }
0xb7: {  	[sflag:s14] =	ssyncset.done $0x0  }
0xb8: {  	[sflag:s14] =	ssyncadd.s32 $0xFFFFFF80  }
0xb9: {  	_ =	swait.ge [sflag:s13], $0x80  }
0xba: {  	[sflag:s13] =	ssyncset.done $0x0  }
0xbb: {  	[sflag:s13] =	ssyncadd.s32 $0xFFFFFF80  }
0xbc: {  	_ =	swait.ge [sflag:s14], $0x80  }
0xbd: {  	s19 =	sadd.s32 $0x1, s19;
	[sflag:s14] =	ssyncset.done $0x0  }
0xbe: {  	p0 =	sne.s32 s19, s7;
	[sflag:s14] =	ssyncadd.s32 $0xFFFFFF80  }
.Ltmp1:
0xbf: {  	[bflag:$0x0] =	sbarrier.arrive $0xFFFF;
	(pc) =	sbr.rel @p0 .LBB2_1-.Ltmp1, $4  }
0xc0: {  	[hbm:s6@s17], [sflag:s15] =	dma.strided [spmem:s16@s18], $0x50, s13, $0x10   }
0xc1: {  	_ =	swait.ge [sflag:s9], $0x50  }
0xc2: {  	[sflag:s9] =	ssyncset.done $0x0  }
0xc3: {  	[sflag:s9] =	ssyncadd.s32 $0xFFFFFFB0  }
0xc4: {  	_ =	sfence.sel $0x180000  }
0xc5: {  	[bflag:$0x0] =	sbarrier.arrive $0xFFFF  }
0xc6: {  	p0 =	sne.s32 s2, $0x0;
	_ =	strace $0x90000047  }
0xc7: {  	s0 =	sadd.s32 @!p0 $0x100000, s0;
	[bflag:$0x2] =	sbarrier.arrive $0xFFFF  }
0xc8: {  	[sflag:s0] =	ssyncadd.tile.s32 @!p0 $0x1;
	_ =	shalt  }
.Lfunc_end2:
_tile_overlayer_lowered:
.L_overlay_start_2:
0xc9: {  	(tag) =	ssettag $0x2  }
0xca: {  	s0 =	rddreg [dreg:$0x0];
	s2 =	stileid.u32  }
0xcb: {  	s1 =	rddreg [dreg:$0x1];
	p0 =	sne.s32 s2, $0x0  }
0xcc: {  	s3 =	rddreg [dreg:$0x2];
	[bflag:$0x3] =	sbarrier.arrive $0xFFFF;
	s2 =	simm.s32 @!p0 $0x1C03  }
0xcd: {  	[timem:s3], [sflag:s2] =	dma.local @!p0 [hbm:s0], s1  }
0xce: {  	s0 =	simm.s32 @!p0 $0x3  }
0xcf: {  	_ =	swait.ge @!p0 [sflag:s0], s1  }
0xd0: {  	s1 =	ssub.s32 @!p0 $0x0, s1;
	[sflag:s0] =	ssyncset.done @!p0 $0x0  }
0xd1: {  	[sflag:s0] =	ssyncadd.s32 @!p0 s1  }
0xd2: {  	[bflag:$0x3] =	sbarrier.arrive $0xFFFF  }
0xd3: {  	_ =	shalt  }

// kernel: kernel.9.cloned.1.call-start
scs
__scs_entry_jumppad:
0x0: {  	(pc) =	sbr.rel $0x88, $3  }
0x1: {  	(tag) =	ssettag $0x0;
	lr =	simm.s32 $0x1  }
0x2: {  	[smem:$0x3F9B] =	sst lr;
	_ =	strace $0xD0000000  }
0x3: {  	_ = 	snop  }
0x4: {  	_ = 	snop  }
0x5: {  	_ = 	snop  }
0x6: {  	_ = 	snop  }
0x7: {  	_ = 	snop  }
__scs_overlays_trampoline_lowered:
0x8: {  	[smem:$0x3FAA] =	sst s0  }
0x9: {  	[smem:$0x3FAB] =	sst s1  }
0xa: {  	[smem:$0x3FAC] =	sst s2  }
0xb: {  	[smem:$0x3FAD] =	sst s3  }
0xc: {  	[smem:$0x3FAE] =	sst s4  }
0xd: {  	[smem:$0x3FAF] =	sst s5  }
0xe: {  	[smem:$0x3FB0] =	sst s6  }
0xf: {  	[smem:$0x3FB1] =	sst s7  }
0x10: {  	[smem:$0x3FB2] =	sst s8  }
0x11: {  	[smem:$0x3FB3] =	sst s9;
	s0 =	simm.s32 @!p0 $0x0  }
0x12: {  	s1 =	sld [smem:$0x3F99];
	s0 =	simm.s32 @p0 $0x1  }
0x13: {  	[smem:$0x3FB4] =	sst s0;
	s0 =	simm.s32 @!p1 $0x0  }
0x14: {  	s2 =	sld [smem:$0x3F98];
	s0 =	simm.s32 @p1 $0x1  }
0x15: {  	[smem:$0x3FB5] =	sst s0;
	s0 =	simm.s32 @!p2 $0x0  }
0x16: {  	s3 =	sld [smem:$0x3FDB];
	s0 =	simm.s32 @p2 $0x1  }
0x17: {  	s4 =	simm.s32 $0x1BF5;
	[smem:$0x3FB7] =	sst s0  }
0x18: {  	s0 =	sld [smem:$0x3F9A];
	_ =	swait.ge [sflag:s4], $0x0  }
0x19: {  	s7 =	sld [smem:$0x3F9B]  }
0x1a: {  	s8 =	sadd.s32 $0xFFFFE003, lr  }
0x1b: {  	s9 =	sadd.s32 $0xFFFFFEF7, lr;
	s5 =	simm.s32 $0xFFFFFFFF;
	p2 =	slt.u32 s8, $0xFFFFF086  }
0x1c: {  	p1 =	slt.u32 s9, $0xF7A;
	s5 =	simm.s32 @!p2 $0x0  }
0x1d: {  	s5 =	simm.s32 @p1 $0x1;
	p0 =	seq.s32 s7, s2  }
0x1e: {  	s7 =	smul.u32 @!p0 $0xF7A, s2;
	p2 =	seq.s32 @!p0 s5, $0x0  }
0x1f: {  	s9 =	smul.u32 $0xF7A, s1;
	s8 =	simm.s32 @!p0 $0x1BF5;
	p2 =	por !p2, p0  }
0x20: {  	[sflag:s8] =	ssyncset.s32 @!p0 $0xFFFFF086;
	s6 =	sadd.s32 @!p0 s3, s7;
	s7 =	simm.s32 @!p0 $0x108  }
0x21: {  	s3 =	sadd.s32 s3, s9;
	s6 =	sadd.s32 @!p0 $0x88, s6;
	s7 =	simm.s32 @p2 $0x1082  }
0x22: {  	[simem:s7], [sflag:s8] =	dma.local @!p0 [hbm:s6], $0xF7A  }
0x23: {  	s9 =	sor.u32 $0xD0000000, s2;
	s6 =	simm.s32 $0x108;
	_ =	swait.ge @!p0 [sflag:s8], $0x0  }
0x24: {  	s3 =	sadd.s32 $0x88, s3;
	s6 =	simm.s32 @!p1 $0x1082;
	[sflag:s4] =	ssyncset.s32 $0xFFFFF086  }
0x25: {  	[simem:s6], [sflag:s4] =	dma.local [hbm:s3], $0xF7A  }
0x26: {  	[smem:$0x3F9B] =	sst s1;
	(tag) =	ssettag s2;
	_ =	strace s9  }
0x27: {  	s1 =	sld [smem:$0x3FAB]  }
0x28: {  	s2 =	sld [smem:$0x3FAC]  }
0x29: {  	s4 =	sld [smem:$0x3FAE]  }
0x2a: {  	p0 =	seq.s32 s5, $0x0;
	s5 =	sld [smem:$0x3FAF]  }
0x2b: {  	s6 =	sld [smem:$0x3FB0]  }
0x2c: {  	s7 =	sld [smem:$0x3FB1]  }
0x2d: {  	s3 =	simm.s32 $0x108;
	s8 =	sld [smem:$0x3FB2]  }
0x2e: {  	s3 =	simm.s32 @!p0 $0x1082;
	s9 =	sld [smem:$0x3FB3]  }
0x2f: {  	lr =	sadd.s32 s0, s3;
	s0 =	sld [smem:$0x3FAA]  }
0x30: {  	s3 =	sld [smem:$0x3FAD]  }
0x31: {  	[smem:$0x3FB6] =	sst s10  }
0x32: {  	s10 =	sld [smem:$0x3FB4];
	_ =	sdelay $0x3  }
0x33: {  	p0 =	seq.s32 s10, $0x1;
	s10 =	sld [smem:$0x3FB6];
	_ =	sdelay $0x3  }
0x34: {  	[smem:$0x3FB6] =	sst s10  }
0x35: {  	s10 =	sld [smem:$0x3FB5];
	_ =	sdelay $0x3  }
0x36: {  	p1 =	seq.s32 s10, $0x1;
	s10 =	sld [smem:$0x3FB6];
	_ =	sdelay $0x3  }
0x37: {  	[smem:$0x3FB6] =	sst s10  }
0x38: {  	s10 =	sld [smem:$0x3FB7]  }
0x39: {  	_ = 	snop;
	(pc) =	sbr.ind lr, $3  }
0x3a: {  	_ = 	snop  }
0x3b: {  	_ = 	snop  }
0x3c: {  	p2 =	seq.s32 s10, $0x1;
	s10 =	sld [smem:$0x3FB6]  }
0x3d: {  	_ =	shalt  }
0x3e: {  	_ =	shalt  }
0x3f: {  	_ =	shalt  }
0x40: {  	_ =	shalt  }
0x41: {  	_ =	shalt  }
0x42: {  	_ =	shalt  }
0x43: {  	_ =	shalt  }
0x44: {  	_ =	shalt  }
0x45: {  	_ =	shalt  }
0x46: {  	_ =	shalt  }
0x47: {  	_ =	shalt  }
0x48: {  	_ =	shalt  }
0x49: {  	_ =	shalt  }
0x4a: {  	_ =	shalt  }
0x4b: {  	_ =	shalt  }
0x4c: {  	_ =	shalt  }
0x4d: {  	_ =	shalt  }
0x4e: {  	_ =	shalt  }
0x4f: {  	_ =	shalt  }
0x50: {  	_ =	shalt  }
0x51: {  	_ =	shalt  }
0x52: {  	_ =	shalt  }
0x53: {  	_ =	shalt  }
0x54: {  	_ =	shalt  }
0x55: {  	_ =	shalt  }
0x56: {  	_ =	shalt  }
0x57: {  	_ =	shalt  }
0x58: {  	_ =	shalt  }
0x59: {  	_ =	shalt  }
0x5a: {  	_ =	shalt  }
0x5b: {  	_ =	shalt  }
0x5c: {  	_ =	shalt  }
0x5d: {  	_ =	shalt  }
0x5e: {  	_ =	shalt  }
0x5f: {  	_ =	shalt  }
0x60: {  	_ =	shalt  }
0x61: {  	_ =	shalt  }
0x62: {  	_ =	shalt  }
0x63: {  	_ =	shalt  }
0x64: {  	_ =	shalt  }
0x65: {  	_ =	shalt  }
0x66: {  	_ =	shalt  }
0x67: {  	_ =	shalt  }
0x68: {  	_ =	shalt  }
0x69: {  	_ =	shalt  }
0x6a: {  	_ =	shalt  }
0x6b: {  	_ =	shalt  }
0x6c: {  	_ =	shalt  }
0x6d: {  	_ =	shalt  }
0x6e: {  	_ =	shalt  }
0x6f: {  	_ =	shalt  }
0x70: {  	_ =	shalt  }
0x71: {  	_ =	shalt  }
0x72: {  	_ =	shalt  }
0x73: {  	_ =	shalt  }
0x74: {  	_ =	shalt  }
0x75: {  	_ =	shalt  }
0x76: {  	_ =	shalt  }
0x77: {  	_ =	shalt  }
0x78: {  	_ =	shalt  }
0x79: {  	_ =	shalt  }
0x7a: {  	_ =	shalt  }
0x7b: {  	_ =	shalt  }
0x7c: {  	_ =	shalt  }
0x7d: {  	_ =	shalt  }
0x7e: {  	_ =	shalt  }
0x7f: {  	_ =	shalt  }
0x80: {  	_ =	shalt  }
0x81: {  	_ =	shalt  }
0x82: {  	_ =	shalt  }
0x83: {  	_ =	shalt  }
0x84: {  	_ =	shalt  }
0x85: {  	_ =	shalt  }
0x86: {  	_ =	shalt  }
0x87: {  	_ =	shalt  }
.Lfunc_end0:
.L_simem_size_0:
called_computation.1_lowered:
.L_overlay_start_0:
0x88: {  	s2 =	sld [smem:$0x3FD9]  }
0x89: {  	s3 =	sld [smem:$0x3FFE];
	_ =	sdelay $0x1  }
0x8a: {  	s1 =	srdreg.scid  }
0x8b: {  	s0 =	sand.u32 $0x1, s1  }
0x8c: {  	s14 =	sshll.u32 s0, $0xA;
	s2 =	sadd.s32 s3, s2  }
0x8d: {  	s2 =	sadd.s32 s2, s14  }
0x8e: {  	[smem:$0x3FC2] =	sst s2  }
0x8f: {  	_ = 	snop  }
0x90: {  	s2 =	sld [smem:$0x3FD0];
	_ =	sdelay $0x2  }
0x91: {  	s15 =	simm.s32 $0xA;
	s4 =	simm.s32 $0x10  }
0x92: {  	[smem:s4], [sflag:s15] =	dma.local [hbm:s2], $0x1  }
0x93: {  	_ =	swait.eq [sflag:s15], $0x1  }
0x94: {  	[sflag:s15] =	ssyncset.done $0x0  }
0x95: {  	s16 =	sld [smem:$0x11];
	[sflag:s15] =	ssyncadd.s32 $0xFFFFFFFF  }
0x96: {  	s17 =	sld [smem:$0x12];
	(tm) =	ssettm $0x1  }
0x97: {  	s18 =	sld [smem:$0x3FFB];
	_ =	sdelay $0x3  }
0x98: {  	_ =	strace s18  }
0x99: {  	s4 =	sld [smem:$0x3FFC];
	_ =	sdelay $0x3  }
0x9a: {  	_ =	strace s4  }
0x9b: {  	s4 =	sld [smem:$0x3FFD];
	_ =	sdelay $0x3  }
0x9c: {  	_ =	strace s4  }
0x9d: {  	_ =	strace $0x8FFFFFFF  }
0x9e: {  	s19 =	sld [smem:$0x3FDB];
	_ =	sdelay $0x1  }
0x9f: {  	s5 =	simm.s32 $_scs_section_size  }
0xa0: {  	s6 =	simm.s32 $_size__tile_overlayer_lowered;
	s7 =	simm.s32 $_tile_overlayer_lowered  }
0xa1: {  	s22 =	simm.s32 $0x1BFF;
	s21 =	sshll.u32 s7, $0x1;
	s4 =	sadd.s32 s5, s19  }
0xa2: {  	s8 =	simm.s32 $0x0;
	s20 =	sshll.u32 s6, $0x1;
	s6 =	sadd.s32 s21, s4  }
0xa3: {  	[timem:s8], [sflag:s22] =	dma.local [hbm:s6], s20  }
0xa4: {  	_ =	swait.ge [sflag:s22], s20  }
0xa5: {  	s5 =	ssub.s32 $0x0, s20;
	[sflag:s22] =	ssyncset.done $0x0  }
0xa6: {  	[sflag:s22] =	ssyncadd.s32 s5;
	_ =	sdelay $0x1  }
0xa7: {  	s23 =	simm.s32 $0x1B8B  }
0xa8: {  	_ =	swait.ge [sflag:s23], $0x1  }
0xa9: {  	[sflag:s23] =	ssyncset.done $0x0  }
0xaa: {  	s25 =	simm.s32 $0x1B8E;
	s24 =	sld [smem:$0x3FFE];
	[sflag:s23] =	ssyncadd.s32 $0xFFFFFFFF  }
0xab: {  	s26 =	simm.s32 $execute0_lowered;
	[smem:$0x3FD2] =	sst s25  }
0xac: {  	s6 =	sshll.u32 s26, $0x1;
	_ =	strace $0x80000049;
	[dreg:$0x1] =	wrdreg $0xFFFFFFFF  }
0xad: {  	s28 =	simm.s32 $_size_execute0_lowered;
	s4 =	sadd.s32 s4, s6;
	[dreg:$0x0] =	wrdreg $0x0  }
0xae: {  	s6 =	sshll.u32 s28, $0x1;
	[dreg:$0x2] =	wrdreg s4  }
0xaf: {  	[dreg:$0x3] =	wrdreg s6  }
0xb0: {  	[dreg:$0x4] =	wrdreg $0xC0  }
0xb1: {  	_ =	task [dreg:s8], $0x5FFFF  }
0xb2: {  	[dreg:$0x1] =	wrdreg $0xFFFFFFFF  }
0xb3: {  	[dreg:$0x0] =	wrdreg $0x60  }
0xb4: {  	[dreg:$0x2] =	wrdreg s17  }
0xb5: {  	[dreg:$0x3] =	wrdreg s16  }
0xb6: {  	[dreg:$0x4] =	wrdreg s24  }
0xb7: {  	[dreg:$0x5] =	wrdreg $0x0  }
0xb8: {  	[dreg:$0x6] =	wrdreg $0x9  }
0xb9: {  	_ =	task.clear_ibuf [dreg:s8], $0x7FFFF;
	_ =	strace $0x90000049  }
0xba: {  	s29 =	simm.s32 $0x9;
	_ =	strace $0x8000004F  }
0xbb: {  	_ =	swait.ge [sflag:s29], $0x1  }
0xbc: {  	[sflag:s29] =	ssyncadd.s32 $0xFFFFFFFF  }
0xbd: {  	_ =	strace $0x9000004F  }
0xbe: {  	_ =	sfence  }
0xbf: {  	s30 =	sld [smem:$0x0];
	_ =	sdelay $0x2  }
0xc0: {  	s31 =	sshll.u32 s1, $0xD;
	s1 =	sshrl.u32 s1, $0x2  }
0xc1: {  	s3 =	sand.u32 $0x4000, s31;
	s1 =	sadd.s32 s1, s30  }
0xc2: {  	s0 =	sor.u32 s3, s0;
	s1 =	sshll.u32 s1, $0x11  }
0xc3: {  	s0 =	sor.u32 s1, s0  }
0xc4: {  	s0 =	sadd.s32 $0x8F2B, s0  }
0xc5: {  	[sflag:s0] =	ssyncadd.remote.s32 $0x1  }
0xc6: {  	_ =	sfence.sel $0xFFFF  }
0xc7: {  	[dreg:$0x0] =	wrdreg $0xFFFFFFFF;
	(pc) =	sbr.abs _section_cstart, $3  }
0xc8: {  	[dreg:$0x1] =	wrdreg $0xFFFFFFFF  }
0xc9: {  	_ =	task.clear_ibuf [dreg:s8], $0x2FFFF;
	_ =	strace $0x9FFFFFFF  }
0xca: {  	(tm) =	ssettm $0x7FFFFFFF  }
0xcb: {  	_ =	shalt  }
tec
execute0_lowered:
.L_overlay_start_1:
0x0: {  	(tag) =	ssettag $0x1  }
0x1: {  	s0 =	rddreg [dreg:$0x0]  }
0x2: {  	s2 =	rddreg [dreg:$0x1]  }
0x3: {  	s5 =	rddreg [dreg:$0x2]  }
0x4: {  	s1 =	rddreg [dreg:$0x3];
	s3 =	simm.s32 $0x0;
	s4 =	srdreg.scid  }
0x5: {  	s10 =	stileid.u32;
	s28 =	simm.s32 $0x2;
	s29 =	simm.s32 $0x15380  }
0x6: {  	s30 =	simm.s32 $0x16700;
	s31 =	simm.s32 $0x16780;
	[smem:$0x7FF] =	sst s3  }
0x7: {  	s9 =	sand.u32 $0x1, s4;
	s7 =	smul.u32 $0x50000, s10;
	s4 =	sadd.s32 $0x1A00, s5  }
0x8: {  	s12 =	smul.u32 $0x14000, s10;
	s18 =	sadd.s32 $0x29A00, s5;
	s6 =	ssub.s32 $0x2, s9  }
0x9: {  	_ =	strace $0x8000004A;
	s21 =	smul.u32 $0x140000, s9;
	s8 =	sshrl.u32 s6, $0x1  }
0xa: {  	s7 =	sshrl.u32 s7, $0x2;
	s13 =	sadd.s32 $0x4000, s12;
	s16 =	sadd.s32 $0x8000, s12  }
0xb: {  	s17 =	sadd.s32 $0xC000, s12;
	s20 =	sadd.s32 $0x10000, s12;
	s19 =	ssub.s32 s6, s8  }
0xc: {  	s5 =	sadd.s32 s7, s1;
	s8 =	sshll.u32 s9, $0x4;
	s6 =	sadd.s32 s13, s1  }
0xd: {  	s7 =	sadd.s32 s16, s1;
	s9 =	sadd.s32 s20, s1;
	s10 =	sor.u32 s10, s8  }
0xe: {  	s13 =	sadd.s32 s21, s13;
	s24 =	sadd.s32 s21, s16;
	s14 =	smul.u32 $0x500, s10  }
0xf: {  	s25 =	sadd.s32 s21, s17;
	s26 =	sadd.s32 s21, s20;
	s8 =	sadd.s32 s17, s1  }
0x10: {  	s23 =	sshrl.u32 s13, $0x3;
	s20 =	sshrl.u32 s26, $0x3;
	s11 =	sadd.s32 s0, s14  }
0x11: {  	s19 =	smax.u32 s19, $0x1;
	s15 =	sadd.s32 s2, s14;
	[dreg:$0x5] =	wrdreg s11  }
0x12: {  	s26 =	simm.s32 $0x1;
	s14 =	sadd.s32 $0x280, s14;
	[dreg:$0x6] =	wrdreg s15  }
0x13: {  	s15 =	sadd.s32 s12, s21;
	s0 =	sadd.s32 s0, s14;
	s13 =	sadd.s32 s2, s14  }
0x14: {  	s2 =	sshrl.u32 s25, $0x3;
	s21 =	simm.s32 $0x3;
	s25 =	simm.s32 $0x1A800  }
0x15: {  	[dreg:$0x7] =	wrdreg s0;
	s22 =	sshrl.u32 s15, $0x3;
	s15 =	sadd.s32 s18, s23  }
0x16: {  	s0 =	sshrl.u32 s24, $0x3;
	s17 =	sadd.s32 s18, s2;
	s23 =	simm.s32 $0x15400  }
0x17: {  	s24 =	simm.s32 $0x80;
	s14 =	sadd.s32 s18, s22;
	s16 =	sadd.s32 s18, s0  }
0x18: {  	v0 =	vimm.f32 $0.0e+00;
	s18 =	sadd.s32 s18, s20;
	s20 =	simm.s32 $0x16800;
	s22 =	simm.s32 $0x14000  }
.LBB2_1:
0x19: {  	_ =	strace $0x8000004B;
	s0 =	simm.s32 $0x0;
	s2 =	simm.s32 $0x200  }
.LBB2_2:
0x1a: {  	p0 =	sne.s32 s2, $0xFE00;
	[tilespmem:s0+$0x16870] =	vst v0  }
0x1b: {  	[tilespmem:s0+$0x16800] =	vst v0  }
0x1c: {  	[tilespmem:s0+$0x16810] =	vst v0  }
.Ltmp0:
0x1d: {  	[tilespmem:s0+$0x16820] =	vst v0;
	(pc) =	sbr.rel @p0 .LBB2_2-.Ltmp0, $4  }
0x1e: {  	[tilespmem:s0+$0x16830] =	vst v0  }
0x1f: {  	[tilespmem:s0+$0x16840] =	vst v0  }
0x20: {  	[tilespmem:s0+$0x16850] =	vst v0  }
0x21: {  	[tilespmem:s0+$0x16860] =	vst v0;
	s0 =	sshra.s32 s2, $0x2;
	s2 =	sadd.s32 $0x200, s2  }
0x22: {  	[tilespmem:s0+$0x16870] =	vst v0  }
0x23: {  	[tilespmem:s0+$0x16800] =	vst v0  }
0x24: {  	[tilespmem:s0+$0x16810] =	vst v0  }
0x25: {  	[tilespmem:s0+$0x16820] =	vst v0  }
0x26: {  	[tilespmem:s0+$0x16830] =	vst v0  }
0x27: {  	[tilespmem:s0+$0x16840] =	vst v0  }
0x28: {  	[tilespmem:s0+$0x16850] =	vst v0  }
0x29: {  	[tilespmem:s0+$0x16860] =	vst v0  }
0x2a: {  	[spmem:s5] =	stream.linear.scatter [tilespmem:s20], [sflag:$0x3], $0x4000, $0x200038;
	[tilespmem:$0x1E800] =	vst v63  }
0x2b: {  	_ =	swait.ge [sflag:s21], $0x4000  }
0x2c: {  	[sflag:s21] =	ssyncset.done $0x0  }
0x2d: {  	[sflag:s21] =	ssyncadd.s32 $0xFFFFC000  }
0x2e: {  	[spmem:s6] =	stream.linear.scatter [tilespmem:s20], [sflag:$0x3], $0x4000, $0x200038;
	[tilespmem:$0x1E800] =	vst v63  }
0x2f: {  	_ =	swait.ge [sflag:s21], $0x4000  }
0x30: {  	[sflag:s21] =	ssyncset.done $0x0  }
0x31: {  	[sflag:s21] =	ssyncadd.s32 $0xFFFFC000  }
0x32: {  	[spmem:s7] =	stream.linear.scatter [tilespmem:s20], [sflag:$0x3], $0x4000, $0x200038;
	[tilespmem:$0x1E800] =	vst v63  }
0x33: {  	_ =	swait.ge [sflag:s21], $0x4000  }
0x34: {  	[sflag:s21] =	ssyncset.done $0x0  }
0x35: {  	[sflag:s21] =	ssyncadd.s32 $0xFFFFC000  }
0x36: {  	[spmem:s8] =	stream.linear.scatter [tilespmem:s20], [sflag:$0x3], $0x4000, $0x200038;
	[tilespmem:$0x1E800] =	vst v63  }
0x37: {  	_ =	swait.ge [sflag:s21], $0x4000  }
0x38: {  	[sflag:s21] =	ssyncset.done $0x0  }
0x39: {  	[sflag:s21] =	ssyncadd.s32 $0xFFFFC000  }
0x3a: {  	[spmem:s9] =	stream.linear.scatter [tilespmem:s20], [sflag:$0x3], $0x4000, $0x200038;
	[tilespmem:$0x1E800] =	vst v63  }
0x3b: {  	_ =	swait.ge [sflag:s21], $0x4000  }
0x3c: {  	[sflag:s21] =	ssyncset.done $0x0  }
0x3d: {  	[sflag:s21] =	ssyncadd.s32 $0xFFFFC000  }
0x3e: {  	[bflag:$0x0] =	sbarrier.arrive $0xFFFF  }
0x3f: {  	_ =	strace $0x9000004B  }
0x40: {  	_ =	strace $0x8000004C  }
0x41: {  	s11 =	simm.s32 $0x0;
	s2 =	rddreg [dreg:$0x5]  }
0x42: {  	[tilespmem:s22], [sflag:$0x3] =	stream.linear.gather [hbm4b:s2+s11], $0x1400, $0x200038;
	[tilespmem:$0x1E800] =	vst v63  }
0x43: {  	_ =	swait.ge [sflag:s21], $0x1400  }
0x44: {  	[sflag:s21] =	ssyncset.done $0x0  }
0x45: {  	s12 =	rddreg [dreg:$0x6];
	[sflag:s21] =	ssyncadd.s32 $0xFFFFEC00  }
0x46: {  	[tilespmem:s23], [sflag:$0x3] =	stream.linear.gather [hbm4b:s12+s11], $0x1400, $0x200038;
	[tilespmem:$0x1E800] =	vst v63  }
0x47: {  	_ =	swait.ge [sflag:s21], $0x1400  }
0x48: {  	[sflag:s21] =	ssyncset.done $0x0  }
0x49: {  	[sflag:s21] =	ssyncadd.s32 $0xFFFFEC00  }
0x4a: {  	[tilespmem:s20], [sflag:$0x1] =	stream.indirect.gather [hbm4b:s4+s24], $0x80, s22, s24, $0x2000b8;
	[tilespmem:$0x1E800] =	vst v63  }
0x4b: {  	s2 =	simm.s32 $0x14080  }
0x4c: {  	[tilespmem:s25], [sflag:$0x2] =	stream.indirect.gather [hbm4b:s4+s24], $0x80, s2, s24, $0x2000b8;
	[tilespmem:$0x1E800] =	vst v63  }
0x4d: {  	_ =	swait.ge [sflag:s26], $0x4000  }
0x4e: {  	[sflag:s26] =	ssyncset.done $0x0  }
0x4f: {  	s10 =	simm.s32 $0x15400;
	[sflag:s26] =	ssyncadd.s32 $0xFFFFC000  }
0x50: {  	[spmem:s1] =	stream.indirect.scatter.add.f32 [tilespmem:s20], [sflag:$0x3], $0x80, s10, s24, $0x2000b8;
	[tilespmem:$0x1E800] =	vst v63  }
0x51: {  	_ =	swait.ge [sflag:s21], $0x4000  }
0x52: {  	[sflag:s21] =	ssyncset.done $0x0  }
0x53: {  	s11 =	simm.s32 $0x14100;
	[sflag:s21] =	ssyncadd.s32 $0xFFFFC000  }
0x54: {  	[tilespmem:s20], [sflag:$0x1] =	stream.indirect.gather [hbm4b:s4+s24], $0x80, s11, s24, $0x2000b8;
	[tilespmem:$0x1E800] =	vst v63  }
0x55: {  	_ =	swait.ge [sflag:s28], $0x4000  }
0x56: {  	[sflag:s28] =	ssyncset.done $0x0  }
0x57: {  	s12 =	simm.s32 $0x15480;
	[sflag:s28] =	ssyncadd.s32 $0xFFFFC000  }
0x58: {  	[spmem:s1] =	stream.indirect.scatter.add.f32 [tilespmem:s25], [sflag:$0x3], $0x80, s12, s24, $0x2000b8;
	[tilespmem:$0x1E800] =	vst v63  }
0x59: {  	_ =	swait.ge [sflag:s21], $0x4000  }
0x5a: {  	s0 =	simm.s32 $0x100;
	s2 =	simm.s32 $0x800;
	[sflag:s21] =	ssyncset.done $0x0  }
.LBB2_4:
0x5b: {  	s10 =	sadd.s32 $0x14080, s0  }
0x5c: {  	[sflag:s21] =	ssyncadd.s32 $0xFFFFC000;
	s11 =	smov.u32 s2;
	s12 =	sadd.s32 $0x400, s2  }
0x5d: {  	[tilespmem:s25], [sflag:$0x2] =	stream.indirect.gather [hbm4b:s4+s24], $0x80, s10, s24, $0x2000b8;
	[tilespmem:$0x1E800] =	vst v63  }
0x5e: {  	p0 =	sne.s32 s2, $0x4800;
	_ =	swait.ge [sflag:s26], $0x4000  }
0x5f: {  	[sflag:s26] =	ssyncset.done $0x0  }
0x60: {  	s2 =	sadd.s32 $0x15400, s0;
	[sflag:s26] =	ssyncadd.s32 $0xFFFFC000  }
0x61: {  	[spmem:s1] =	stream.indirect.scatter.add.f32 [tilespmem:s20], [sflag:$0x3], $0x80, s2, s24, $0x2000b8;
	[tilespmem:$0x1E800] =	vst v63  }
0x62: {  	_ =	swait.ge [sflag:s21], $0x4000  }
0x63: {  	[sflag:s21] =	ssyncset.done $0x0  }
0x64: {  	s2 =	sadd.s32 $0x14100, s0;
	[sflag:s21] =	ssyncadd.s32 $0xFFFFC000  }
0x65: {  	[tilespmem:s20], [sflag:$0x1] =	stream.indirect.gather [hbm4b:s4+s24], $0x80, s2, s24, $0x2000b8;
	[tilespmem:$0x1E800] =	vst v63  }
0x66: {  	_ =	swait.ge [sflag:s28], $0x4000  }
.Ltmp1:
0x67: {  	[sflag:s28] =	ssyncset.done $0x0;
	(pc) =	sbr.rel @p0 .LBB2_4-.Ltmp1, $4  }
0x68: {  	s0 =	sadd.s32 $0x15480, s0;
	[sflag:s28] =	ssyncadd.s32 $0xFFFFC000  }
0x69: {  	[spmem:s1] =	stream.indirect.scatter.add.f32 [tilespmem:s25], [sflag:$0x3], $0x80, s0, s24, $0x2000b8;
	[tilespmem:$0x1E800] =	vst v63  }
0x6a: {  	_ =	swait.ge [sflag:s21], $0x4000  }
0x6b: {  	s2 =	smov.u32 s12;
	s0 =	sshra.s32 s11, $0x2;
	[sflag:s21] =	ssyncset.done $0x0  }
0x6c: {  	s2 =	sadd.s32 $0x14080, s0;
	[sflag:s21] =	ssyncadd.s32 $0xFFFFC000  }
0x6d: {  	[tilespmem:s25], [sflag:$0x2] =	stream.indirect.gather [hbm4b:s4+s24], $0x80, s2, s24, $0x2000b8;
	[tilespmem:$0x1E800] =	vst v63  }
0x6e: {  	_ =	swait.ge [sflag:s26], $0x4000  }
0x6f: {  	[sflag:s26] =	ssyncset.done $0x0  }
0x70: {  	s11 =	sadd.s32 $0x15400, s0;
	[sflag:s26] =	ssyncadd.s32 $0xFFFFC000  }
0x71: {  	[spmem:s1] =	stream.indirect.scatter.add.f32 [tilespmem:s20], [sflag:$0x3], $0x80, s11, s24, $0x2000b8;
	[tilespmem:$0x1E800] =	vst v63  }
0x72: {  	_ =	swait.ge [sflag:s21], $0x4000  }
0x73: {  	[sflag:s21] =	ssyncset.done $0x0  }
0x74: {  	s12 =	sadd.s32 $0x14100, s0;
	[sflag:s21] =	ssyncadd.s32 $0xFFFFC000  }
0x75: {  	[tilespmem:s20], [sflag:$0x1] =	stream.indirect.gather [hbm4b:s4+s24], $0x80, s12, s24, $0x2000b8;
	[tilespmem:$0x1E800] =	vst v63  }
0x76: {  	_ =	swait.ge [sflag:s28], $0x4000  }
0x77: {  	[sflag:s28] =	ssyncset.done $0x0  }
0x78: {  	s10 =	sadd.s32 $0x15480, s0;
	[sflag:s28] =	ssyncadd.s32 $0xFFFFC000  }
0x79: {  	[spmem:s1] =	stream.indirect.scatter.add.f32 [tilespmem:s25], [sflag:$0x3], $0x80, s10, s24, $0x2000b8;
	[tilespmem:$0x1E800] =	vst v63  }
0x7a: {  	_ =	swait.ge [sflag:s21], $0x4000  }
0x7b: {  	[sflag:s21] =	ssyncset.done $0x0  }
0x7c: {  	[sflag:s21] =	ssyncadd.s32 $0xFFFFC000  }
0x7d: {  	[tilespmem:s25], [sflag:$0x2] =	stream.indirect.gather [hbm4b:s4+s24], $0x80, s29, s24, $0x2000b8;
	[tilespmem:$0x1E800] =	vst v63  }
0x7e: {  	_ =	swait.ge [sflag:s26], $0x4000  }
0x7f: {  	[sflag:s26] =	ssyncset.done $0x0  }
0x80: {  	[sflag:s26] =	ssyncadd.s32 $0xFFFFC000  }
0x81: {  	[spmem:s1] =	stream.indirect.scatter.add.f32 [tilespmem:s20], [sflag:$0x3], $0x80, s30, s24, $0x2000b8;
	[tilespmem:$0x1E800] =	vst v63  }
0x82: {  	_ =	swait.ge [sflag:s21], $0x4000  }
0x83: {  	[sflag:s21] =	ssyncset.done $0x0  }
0x84: {  	[sflag:s21] =	ssyncadd.s32 $0xFFFFC000  }
0x85: {  	_ =	swait.ge [sflag:s28], $0x4000  }
0x86: {  	[sflag:s28] =	ssyncset.done $0x0  }
0x87: {  	[sflag:s28] =	ssyncadd.s32 $0xFFFFC000  }
0x88: {  	[spmem:s1] =	stream.indirect.scatter.add.f32 [tilespmem:s25], [sflag:$0x3], $0x80, s31, s24, $0x2000b8;
	[tilespmem:$0x1E800] =	vst v63  }
0x89: {  	_ =	swait.ge [sflag:s21], $0x4000  }
0x8a: {  	[sflag:s21] =	ssyncset.done $0x0  }
0x8b: {  	s11 =	simm.s32 $0x0;
	s12 =	rddreg [dreg:$0x7];
	[sflag:s21] =	ssyncadd.s32 $0xFFFFC000  }
0x8c: {  	[tilespmem:s22], [sflag:$0x3] =	stream.linear.gather [hbm4b:s12+s11], $0x1400, $0x200038;
	[tilespmem:$0x1E800] =	vst v63  }
0x8d: {  	_ =	swait.ge [sflag:s21], $0x1400  }
0x8e: {  	[sflag:s21] =	ssyncset.done $0x0  }
0x8f: {  	[sflag:s21] =	ssyncadd.s32 $0xFFFFEC00  }
0x90: {  	[tilespmem:s23], [sflag:$0x3] =	stream.linear.gather [hbm4b:s13+s11], $0x1400, $0x200038;
	[tilespmem:$0x1E800] =	vst v63  }
0x91: {  	_ =	swait.ge [sflag:s21], $0x1400  }
0x92: {  	[sflag:s21] =	ssyncset.done $0x0  }
0x93: {  	[sflag:s21] =	ssyncadd.s32 $0xFFFFEC00  }
0x94: {  	[tilespmem:s20], [sflag:$0x1] =	stream.indirect.gather [hbm4b:s4+s24], $0x80, s22, s24, $0x2000b8;
	[tilespmem:$0x1E800] =	vst v63  }
0x95: {  	s2 =	simm.s32 $0x14080  }
0x96: {  	[tilespmem:s25], [sflag:$0x2] =	stream.indirect.gather [hbm4b:s4+s24], $0x80, s2, s24, $0x2000b8;
	[tilespmem:$0x1E800] =	vst v63  }
0x97: {  	_ =	swait.ge [sflag:s26], $0x4000  }
0x98: {  	[sflag:s26] =	ssyncset.done $0x0  }
0x99: {  	s10 =	simm.s32 $0x15400;
	[sflag:s26] =	ssyncadd.s32 $0xFFFFC000  }
0x9a: {  	[spmem:s1] =	stream.indirect.scatter.add.f32 [tilespmem:s20], [sflag:$0x3], $0x80, s10, s24, $0x2000b8;
	[tilespmem:$0x1E800] =	vst v63  }
0x9b: {  	_ =	swait.ge [sflag:s21], $0x4000  }
0x9c: {  	[sflag:s21] =	ssyncset.done $0x0  }
0x9d: {  	s11 =	simm.s32 $0x14100;
	[sflag:s21] =	ssyncadd.s32 $0xFFFFC000  }
0x9e: {  	[tilespmem:s20], [sflag:$0x1] =	stream.indirect.gather [hbm4b:s4+s24], $0x80, s11, s24, $0x2000b8;
	[tilespmem:$0x1E800] =	vst v63  }
0x9f: {  	_ =	swait.ge [sflag:s28], $0x4000  }
0xa0: {  	[sflag:s28] =	ssyncset.done $0x0  }
0xa1: {  	s12 =	simm.s32 $0x15480;
	[sflag:s28] =	ssyncadd.s32 $0xFFFFC000  }
0xa2: {  	[spmem:s1] =	stream.indirect.scatter.add.f32 [tilespmem:s25], [sflag:$0x3], $0x80, s12, s24, $0x2000b8;
	[tilespmem:$0x1E800] =	vst v63  }
0xa3: {  	_ =	swait.ge [sflag:s21], $0x4000  }
0xa4: {  	s0 =	simm.s32 $0x100;
	s2 =	simm.s32 $0x800;
	[sflag:s21] =	ssyncset.done $0x0  }
.LBB2_6:
0xa5: {  	s10 =	sadd.s32 $0x14080, s0  }
0xa6: {  	[sflag:s21] =	ssyncadd.s32 $0xFFFFC000;
	s11 =	smov.u32 s2;
	s12 =	sadd.s32 $0x400, s2  }
0xa7: {  	[tilespmem:s25], [sflag:$0x2] =	stream.indirect.gather [hbm4b:s4+s24], $0x80, s10, s24, $0x2000b8;
	[tilespmem:$0x1E800] =	vst v63  }
0xa8: {  	p0 =	sne.s32 s2, $0x4800;
	_ =	swait.ge [sflag:s26], $0x4000  }
0xa9: {  	[sflag:s26] =	ssyncset.done $0x0  }
0xaa: {  	s2 =	sadd.s32 $0x15400, s0;
	[sflag:s26] =	ssyncadd.s32 $0xFFFFC000  }
0xab: {  	[spmem:s1] =	stream.indirect.scatter.add.f32 [tilespmem:s20], [sflag:$0x3], $0x80, s2, s24, $0x2000b8;
	[tilespmem:$0x1E800] =	vst v63  }
0xac: {  	_ =	swait.ge [sflag:s21], $0x4000  }
0xad: {  	[sflag:s21] =	ssyncset.done $0x0  }
0xae: {  	s2 =	sadd.s32 $0x14100, s0;
	[sflag:s21] =	ssyncadd.s32 $0xFFFFC000  }
0xaf: {  	[tilespmem:s20], [sflag:$0x1] =	stream.indirect.gather [hbm4b:s4+s24], $0x80, s2, s24, $0x2000b8;
	[tilespmem:$0x1E800] =	vst v63  }
0xb0: {  	_ =	swait.ge [sflag:s28], $0x4000  }
.Ltmp2:
0xb1: {  	[sflag:s28] =	ssyncset.done $0x0;
	(pc) =	sbr.rel @p0 .LBB2_6-.Ltmp2, $4  }
0xb2: {  	s0 =	sadd.s32 $0x15480, s0;
	[sflag:s28] =	ssyncadd.s32 $0xFFFFC000  }
0xb3: {  	[spmem:s1] =	stream.indirect.scatter.add.f32 [tilespmem:s25], [sflag:$0x3], $0x80, s0, s24, $0x2000b8;
	[tilespmem:$0x1E800] =	vst v63  }
0xb4: {  	_ =	swait.ge [sflag:s21], $0x4000  }
0xb5: {  	s2 =	smov.u32 s12;
	s0 =	sshra.s32 s11, $0x2;
	[sflag:s21] =	ssyncset.done $0x0  }
0xb6: {  	s2 =	sadd.s32 $0x14080, s0;
	[sflag:s21] =	ssyncadd.s32 $0xFFFFC000  }
0xb7: {  	[tilespmem:s25], [sflag:$0x2] =	stream.indirect.gather [hbm4b:s4+s24], $0x80, s2, s24, $0x2000b8;
	[tilespmem:$0x1E800] =	vst v63  }
0xb8: {  	_ =	swait.ge [sflag:s26], $0x4000  }
0xb9: {  	[sflag:s26] =	ssyncset.done $0x0  }
0xba: {  	s11 =	sadd.s32 $0x15400, s0;
	[sflag:s26] =	ssyncadd.s32 $0xFFFFC000  }
0xbb: {  	[spmem:s1] =	stream.indirect.scatter.add.f32 [tilespmem:s20], [sflag:$0x3], $0x80, s11, s24, $0x2000b8;
	[tilespmem:$0x1E800] =	vst v63  }
0xbc: {  	_ =	swait.ge [sflag:s21], $0x4000  }
0xbd: {  	[sflag:s21] =	ssyncset.done $0x0  }
0xbe: {  	s12 =	sadd.s32 $0x14100, s0;
	[sflag:s21] =	ssyncadd.s32 $0xFFFFC000  }
0xbf: {  	[tilespmem:s20], [sflag:$0x1] =	stream.indirect.gather [hbm4b:s4+s24], $0x80, s12, s24, $0x2000b8;
	[tilespmem:$0x1E800] =	vst v63  }
0xc0: {  	_ =	swait.ge [sflag:s28], $0x4000  }
0xc1: {  	[sflag:s28] =	ssyncset.done $0x0  }
0xc2: {  	s2 =	sadd.s32 $0x15480, s0;
	[sflag:s28] =	ssyncadd.s32 $0xFFFFC000  }
0xc3: {  	[spmem:s1] =	stream.indirect.scatter.add.f32 [tilespmem:s25], [sflag:$0x3], $0x80, s2, s24, $0x2000b8;
	[tilespmem:$0x1E800] =	vst v63  }
0xc4: {  	_ =	swait.ge [sflag:s21], $0x4000  }
0xc5: {  	[sflag:s21] =	ssyncset.done $0x0  }
0xc6: {  	[sflag:s21] =	ssyncadd.s32 $0xFFFFC000  }
0xc7: {  	[tilespmem:s25], [sflag:$0x2] =	stream.indirect.gather [hbm4b:s4+s24], $0x80, s29, s24, $0x2000b8;
	[tilespmem:$0x1E800] =	vst v63  }
0xc8: {  	_ =	swait.ge [sflag:s26], $0x4000  }
0xc9: {  	[sflag:s26] =	ssyncset.done $0x0  }
0xca: {  	[sflag:s26] =	ssyncadd.s32 $0xFFFFC000  }
0xcb: {  	[spmem:s1] =	stream.indirect.scatter.add.f32 [tilespmem:s20], [sflag:$0x3], $0x80, s30, s24, $0x2000b8;
	[tilespmem:$0x1E800] =	vst v63  }
0xcc: {  	_ =	swait.ge [sflag:s21], $0x4000  }
0xcd: {  	[sflag:s21] =	ssyncset.done $0x0  }
0xce: {  	[sflag:s21] =	ssyncadd.s32 $0xFFFFC000  }
0xcf: {  	_ =	swait.ge [sflag:s28], $0x4000  }
0xd0: {  	[sflag:s28] =	ssyncset.done $0x0  }
0xd1: {  	[sflag:s28] =	ssyncadd.s32 $0xFFFFC000  }
0xd2: {  	[spmem:s1] =	stream.indirect.scatter.add.f32 [tilespmem:s25], [sflag:$0x3], $0x80, s31, s24, $0x2000b8;
	[tilespmem:$0x1E800] =	vst v63  }
0xd3: {  	_ =	swait.ge [sflag:s21], $0x4000  }
0xd4: {  	[sflag:s21] =	ssyncset.done $0x0  }
0xd5: {  	[sflag:s21] =	ssyncadd.s32 $0xFFFFC000  }
0xd6: {  	_ =	strace $0x9000004C  }
0xd7: {  	_ =	strace $0x8000004D  }
0xd8: {  	s10 =	stileid.u32;
	[bflag:$0x0] =	sbarrier.arrive $0xFFFF  }
0xd9: {  	s0 =	sshll.u32 s10, $0x6;
	_ =	strace $0x9000004D  }
0xda: {  	s0 =	sor.u32 $0x1C03, s0;
	s11 =	sshrl.u32 s5, $0x3;
	_ =	strace $0x8000004E  }
0xdb: {  	[hbm:s14], [sflag:s0] =	dma.local [spmem:s11], $0x800  }
0xdc: {  	_ =	swait.ge [sflag:s21], $0x800  }
0xdd: {  	[sflag:s21] =	ssyncset.done $0x0  }
0xde: {  	s12 =	sshrl.u32 s6, $0x3;
	[sflag:s21] =	ssyncadd.s32 $0xFFFFF800  }
0xdf: {  	[hbm:s15], [sflag:s0] =	dma.local [spmem:s12], $0x800  }
0xe0: {  	_ =	swait.ge [sflag:s21], $0x800  }
0xe1: {  	[sflag:s21] =	ssyncset.done $0x0  }
0xe2: {  	s10 =	sshrl.u32 s7, $0x3;
	[sflag:s21] =	ssyncadd.s32 $0xFFFFF800  }
0xe3: {  	[hbm:s16], [sflag:s0] =	dma.local [spmem:s10], $0x800  }
0xe4: {  	_ =	swait.ge [sflag:s21], $0x800  }
0xe5: {  	[sflag:s21] =	ssyncset.done $0x0  }
0xe6: {  	s11 =	sshrl.u32 s8, $0x3;
	[sflag:s21] =	ssyncadd.s32 $0xFFFFF800  }
0xe7: {  	[hbm:s17], [sflag:s0] =	dma.local [spmem:s11], $0x800  }
0xe8: {  	_ =	swait.ge [sflag:s21], $0x800  }
0xe9: {  	s3 =	sadd.s32 $0x1, s3;
	[sflag:s21] =	ssyncset.done $0x0  }
0xea: {  	p0 =	sne.s32 s3, s19;
	s12 =	sshrl.u32 s9, $0x3;
	[sflag:s21] =	ssyncadd.s32 $0xFFFFF800  }
0xeb: {  	[hbm:s18], [sflag:s0] =	dma.local [spmem:s12], $0x800  }
.Ltmp3:
0xec: {  	_ = 	snop;
	(pc) =	sbr.rel @p0 .LBB2_1-.Ltmp3, $4  }
0xed: {  	_ =	swait.ge [sflag:s21], $0x800  }
0xee: {  	[sflag:s21] =	ssyncset.done $0x0  }
0xef: {  	[sflag:s21] =	ssyncadd.s32 $0xFFFFF800  }
0xf0: {  	_ =	strace $0x9000004E  }
0xf1: {  	_ =	sfence.sel $0x180000  }
0xf2: {  	[bflag:$0x0] =	sbarrier.arrive $0xFFFF  }
0xf3: {  	_ =	strace $0x9000004A  }
0xf4: {  	s0 =	stileid.u32;
	[bflag:$0x2] =	sbarrier.arrive $0xFFFF  }
0xf5: {  	p0 =	sne.s32 s0, $0x0;
	s0 =	rddreg [dreg:$0x4]  }
0xf6: {  	s0 =	sadd.s32 @!p0 $0x100000, s0  }
0xf7: {  	[sflag:s0] =	ssyncadd.tile.s32 @!p0 $0x1;
	_ =	shalt  }
.Lfunc_end2:
_tile_overlayer_lowered:
.L_overlay_start_2:
0xf8: {  	(tag) =	ssettag $0x2  }
0xf9: {  	s0 =	rddreg [dreg:$0x0];
	s2 =	stileid.u32  }
0xfa: {  	s1 =	rddreg [dreg:$0x1];
	p0 =	sne.s32 s2, $0x0  }
0xfb: {  	s3 =	rddreg [dreg:$0x2];
	[bflag:$0x3] =	sbarrier.arrive $0xFFFF;
	s2 =	simm.s32 @!p0 $0x1C03  }
0xfc: {  	[timem:s3], [sflag:s2] =	dma.local @!p0 [hbm:s0], s1  }
0xfd: {  	s0 =	simm.s32 @!p0 $0x3  }
0xfe: {  	_ =	swait.ge @!p0 [sflag:s0], s1  }
0xff: {  	s1 =	ssub.s32 @!p0 $0x0, s1;
	[sflag:s0] =	ssyncset.done @!p0 $0x0  }
0x100: {  	[sflag:s0] =	ssyncadd.s32 @!p0 s1  }
0x101: {  	[bflag:$0x3] =	sbarrier.arrive $0xFFFF  }
0x102: {  	_ =	shalt  }

</sc_bundles>
